<compile_context>
chip_gen: v7x
topology: tpu7x:2x2x1
jax: 0.10.2.dev20260603
libtpu: 0.0.44.dev20260713+nightly
codegen_flags: <defaults>
</compile_context>

<pallas_src>
import functools

import jax
import jax.numpy as jnp
from jax import lax
from jax.experimental import pallas as pl
from jax.experimental.pallas import tpu as pltpu
from jax.experimental.pallas import tpu_sc as plsc

N = 100000
D = 128
S = 64
L = 16
NC = 2
NS = 16
NW = NC * NS
NSC = 36000
NTC = N - NSC
CHUNK = 400
SUB = 80
NSUB = CHUNK // SUB
NCHUNK = NSC // CHUNK
JMAX = -(-NCHUNK // NW)
TBLK = 4000
DK = D // L
CLAMP = 60.0


def _sc_pool(x, bi, w):
    mesh = plsc.VectorSubcoreMesh(core_axis_name="c", subcore_axis_name="s")

    @functools.partial(
        pl.kernel,
        out_type=[
            jax.ShapeDtypeStruct((NW, S, D), jnp.float32),
            jax.ShapeDtypeStruct((NW, L), jnp.float32),
        ],
        mesh=mesh,
        compiler_params=pltpu.CompilerParams(needs_layout_passes=False),
        scratch_types=[
            pltpu.VMEM((CHUNK, D), jnp.float32),
            pltpu.VMEM((CHUNK, D), jnp.float32),
            pltpu.VMEM((CHUNK + L,), jnp.int32),
            pltpu.VMEM((CHUNK + L,), jnp.int32),
            pltpu.VMEM((D,), jnp.float32),
            pltpu.VMEM((S, D), jnp.float32),
            pltpu.VMEM((L,), jnp.float32),
            pltpu.SemaphoreType.DMA,
            pltpu.SemaphoreType.DMA,
        ],
    )
    def body(x_hbm, bi_hbm, w_hbm, part_hbm, z_hbm, xbuf0, xbuf1, bib0, bib1,
             wbuf, acc, zbuf, sem0, sem1):
        cid = lax.axis_index("c")
        sid = lax.axis_index("s")
        wid = sid * NC + cid

        pltpu.sync_copy(w_hbm, wbuf)
        wv = [wbuf[pl.ds(k * L, L)] for k in range(DK)]

        zero = jnp.zeros((L,), jnp.float32)

        def zinit(i, carry):
            for k in range(DK):
                acc[i, pl.ds(k * L, L)] = zero
            return carry
        lax.fori_loop(0, S, zinit, 0)
        zbuf[...] = zero

        def weight(xv):
            p = xv[0] * wv[0]
            for k in range(1, DK):
                p = p + xv[k] * wv[k]
            s = jnp.sum(p)
            sv = jnp.full((L,), s, jnp.float32)
            return jnp.exp(jnp.minimum(sv, CLAMP))

        def start_chunk(c, xb, bb, sem):
            base = c * CHUNK
            pltpu.async_copy(x_hbm.at[pl.ds(base, CHUNK), :], xb, sem)
            pltpu.async_copy(bi_hbm.at[pl.ds(base, CHUNK)],
                             bb.at[pl.ds(0, CHUNK)], sem)

        def wait_chunk(xb, bb, sem):
            pltpu.make_async_copy(x_hbm.at[pl.ds(0, CHUNK), :], xb, sem).wait()
            pltpu.make_async_copy(bi_hbm.at[pl.ds(0, CHUNK)],
                                  bb.at[pl.ds(0, CHUNK)], sem).wait()

        def process(xb, bb):
            def sub_step(sb, carry):
                r0 = sb * SUB
                seg0 = bb[pl.ds(r0, L)][0]
                seg1 = bb[pl.ds(r0 + SUB - L, L)][L - 1]

                def fastb():
                    @plsc.parallel_loop(0, SUB, carry=zero)
                    def dz(i, z):
                        r = r0 + i
                        xv = [xb[r, pl.ds(k * L, L)] for k in range(DK)]
                        ev = weight(xv)
                        for k in range(DK):
                            plsc.addupdate(acc.at[seg0, pl.ds(k * L, L)],
                                           xv[k] * ev)
                        return z + ev
                    plsc.addupdate(zbuf.at[pl.ds(0, L)], dz)

                def slowb():
                    def rbody(i, z):
                        r = r0 + i
                        xv = [xb[r, pl.ds(k * L, L)] for k in range(DK)]
                        ev = weight(xv)
                        sg = bb[pl.ds(r, L)][0]
                        for k in range(DK):
                            plsc.addupdate(acc.at[sg, pl.ds(k * L, L)],
                                           xv[k] * ev)
                        return z + ev
                    dz = lax.fori_loop(0, SUB, rbody, zero)
                    plsc.addupdate(zbuf.at[pl.ds(0, L)], dz)

                lax.cond(seg0 == seg1, fastb, slowb)
                return carry
            lax.fori_loop(0, NSUB, sub_step, 0)

        def run(c, xb, bb, sem, xbn, bbn, semn):
            cn = c + NW

            @pl.when(cn < NCHUNK)
            def _prefetch():
                start_chunk(cn, xbn, bbn, semn)

            wait_chunk(xb, bb, sem)
            process(xb, bb)

        start_chunk(wid, xbuf0, bib0, sem0)

        def chunk_step(j, carry):
            c = wid + j * NW

            @pl.when(c < NCHUNK)
            def _():
                def even():
                    run(c, xbuf0, bib0, sem0, xbuf1, bib1, sem1)

                def odd():
                    run(c, xbuf1, bib1, sem1, xbuf0, bib0, sem0)

                lax.cond(j % 2 == 0, even, odd)
            return carry

        lax.fori_loop(0, JMAX, chunk_step, 0)
        pltpu.sync_copy(acc, part_hbm.at[wid])
        pltpu.sync_copy(zbuf, z_hbm.at[wid])

    return body(x, bi, w)


def _tc_pool(x, bi3, wrow):
    off = NSC // TBLK

    def body(x_ref, bi_ref, w_ref, part_ref, z_ref):
        i = pl.program_id(0)
        xb = x_ref[...]
        s = jnp.sum(xb * w_ref[...], axis=1, keepdims=True)
        e = jnp.exp(jnp.minimum(s, CLAMP))
        wx = xb * e
        seg = jax.lax.broadcasted_iota(jnp.int32, (S, TBLK), 0)
        onehot = (bi_ref[0, 0, :][None, :] == seg).astype(jnp.float32)
        p = jax.lax.dot(onehot, wx)
        zs = jnp.full((8, 128), jnp.sum(e))

        @pl.when(i == 0)
        def _init():
            part_ref[...] = p
            z_ref[...] = zs

        @pl.when(i > 0)
        def _accum():
            part_ref[...] += p
            z_ref[...] += zs

    return pl.pallas_call(
        body,
        grid=(NTC // TBLK,),
        in_specs=[
            pl.BlockSpec((TBLK, D), lambda i: (i + off, 0)),
            pl.BlockSpec((1, 1, TBLK), lambda i: (i + off, 0, 0)),
            pl.BlockSpec((1, D), lambda i: (0, 0)),
        ],
        out_specs=[
            pl.BlockSpec((S, D), lambda i: (0, 0)),
            pl.BlockSpec((8, 128), lambda i: (0, 0)),
        ],
        out_shape=[
            jax.ShapeDtypeStruct((S, D), jnp.float32),
            jax.ShapeDtypeStruct((8, 128), jnp.float32),
        ],
    )(x, bi3, wrow)


def _combine(partials, zpart, tc_p, tc_z):
    def body(p_ref, z_ref, tp_ref, tz_ref, o_ref):
        z = jnp.sum(z_ref[:, 0:1]) + tz_ref[0, 0]
        o_ref[...] = (jnp.sum(p_ref[...], axis=0) + tp_ref[...]) * (1.0 / z)

    return pl.pallas_call(
        body,
        out_shape=jax.ShapeDtypeStruct((S, D), jnp.float32),
    )(partials, zpart, tc_p, tc_z)


@jax.jit
def kernel(node_features, batch_index, W, b):
    bi = batch_index.astype(jnp.int32)
    w = W.reshape(D)
    partials, zpart = _sc_pool(node_features, bi, w)
    tc_p, tc_z = _tc_pool(node_features, bi.reshape(N // TBLK, 1, TBLK),
                          w.reshape(1, D))
    return _combine(partials, zpart, tc_p, tc_z)

# --- scband reference (transcript-rebuilt; emitter-appended) ---
"""Pipeline reference for scband-attention-pooling-49108656062866 (READ-ONLY COPY).

The authoritative reference and input builder live on the scoring server;
editing this copy changes nothing except your own understanding.
"""

import jax, jax.numpy as jnp
import numpy as np

N = 100000
D = 128
NUM_SEGMENTS = 64

def setup_inputs(seed: int = 0) -> dict:
    key = jax.random.key(seed)
    k1, k2, k3 = jax.random.split(key, 3)
    node_features = jax.random.normal(k1, (N, D), dtype=jnp.float32)
    batch_index = jnp.sort(jax.random.randint(k2, (N,), 0, NUM_SEGMENTS, dtype=jnp.int64))
    # nn.Linear(node_dim, 1): weight [1, D], bias [1] -> store as W [D, 1], b [1]
    bound = 1.0 / np.sqrt(D)
    W = jax.random.uniform(k3, (D, 1), dtype=jnp.float32, minval=-bound, maxval=bound)
    b = jnp.zeros((1,), dtype=jnp.float32)
    return {"node_features": node_features, "batch_index": batch_index, "W": W, "b": b}

def reference(node_features, batch_index, W, b):
    # attention_mechanism: Linear(node_dim, 1)
    attention_weights = node_features @ W + b  # [N, 1]
    # softmax over dim=0 (across ALL nodes globally, as in the original module)
    attention_weights = jax.nn.softmax(attention_weights, axis=0)  # [N, 1]
    weighted = node_features * attention_weights  # [N, D]
    # scatter(..., dim=0, reduce='sum') -> segment_sum
    pooled_representation = jax.ops.segment_sum(weighted, batch_index, num_segments=NUM_SEGMENTS)
    return pooled_representation

if __name__ == "__main__":
    import jax
    _d = setup_inputs()
    print(jax.jit(kernel)(*tuple(_d.values())))

</pallas_src>

<mosaic_0001>
#map = affine_map<(d0, d1) -> (0, 0)>
#map1 = affine_map<(d0, d1) -> (0)>
#map2 = affine_map<(d0, d1) -> (0, 0, 0)>
module attributes {stable_mosaic.version = 14 : i64} {
  func.func @body(%arg0: i32, %arg1: i32, %arg2: memref<100000x128xf32, #tpu.memory_space<hbm>>, %arg3: memref<100000xi32, #tpu.memory_space<hbm>>, %arg4: memref<128xf32, #tpu.memory_space<hbm>>, %arg5: memref<32x64x128xf32, #tpu.memory_space<hbm>>, %arg6: memref<32x16xf32, #tpu.memory_space<hbm>>, %arg7: memref<400x128xf32, #tpu.memory_space<vmem>>, %arg8: memref<400x128xf32, #tpu.memory_space<vmem>>, %arg9: memref<416xi32, #tpu.memory_space<vmem>>, %arg10: memref<416xi32, #tpu.memory_space<vmem>>, %arg11: memref<128xf32, #tpu.memory_space<vmem>>, %arg12: memref<64x128xf32, #tpu.memory_space<vmem>>, %arg13: memref<16xf32, #tpu.memory_space<vmem>>, %arg14: memref<!tpu.dma_semaphore, #tpu.memory_space<semaphore_mem>>, %arg15: memref<!tpu.dma_semaphore, #tpu.memory_space<semaphore_mem>>) attributes {dimension_semantics = [#tpu.dimension_semantics<core_parallel>, #tpu.dimension_semantics<subcore_parallel>], iteration_bounds = array<i64: 2, 16>, scalar_prefetch = 0 : i64, scratch_operands = 9 : i64, tpu.core_type = #tpu.core_type<sc_vector_subcore>, window_params = [{transform_indices = #map}, {transform_indices = #map1}, {transform_indices = #map1}, {transform_indices = #map2}, {transform_indices = #map}]} {
    %mul3A = arith.constant 2 : i32
    %mul3A_0 = arith.muli %arg1, %mul3A : i32
    %add3A = arith.addi %mul3A_0, %arg0 : i32
    "tpu.region"() ({
      %run_scoped3A = tpu.sem_alloc : memref<!tpu.dma_semaphore, #tpu.memory_space<semaphore_mem>>
      tpu.enqueue_dma source(%arg4 : memref<128xf32, #tpu.memory_space<hbm>>) target(%arg11 : memref<128xf32, #tpu.memory_space<vmem>>) target_semaphore(%run_scoped3A : memref<!tpu.dma_semaphore, #tpu.memory_space<semaphore_mem>>)
      tpu.wait_dma2 semaphore(%run_scoped3A : memref<!tpu.dma_semaphore, #tpu.memory_space<semaphore_mem>>) src(%arg4 : memref<128xf32, #tpu.memory_space<hbm>>) dst(%arg11 : memref<128xf32, #tpu.memory_space<vmem>>)
      tpu.yield
    }) : () -> ()
    %get3A = arith.constant 0 : index
    %get3A_1 = tpu.vector_load %arg11[%get3A] {strides = array<i32>} : memref<128xf32, #tpu.memory_space<vmem>>, vector<16xf32>,
    %get3A_2 = arith.constant 16 : index
    %get3A_3 = tpu.vector_load %arg11[%get3A_2] {strides = array<i32>} : memref<128xf32, #tpu.memory_space<vmem>>, vector<16xf32>,
    %get3A_4 = arith.constant 32 : index
    %get3A_5 = tpu.vector_load %arg11[%get3A_4] {strides = array<i32>} : memref<128xf32, #tpu.memory_space<vmem>>, vector<16xf32>,
    %get3A_6 = arith.constant 48 : index
    %get3A_7 = tpu.vector_load %arg11[%get3A_6] {strides = array<i32>} : memref<128xf32, #tpu.memory_space<vmem>>, vector<16xf32>,
    %get3A_8 = arith.constant 64 : index
    %get3A_9 = tpu.vector_load %arg11[%get3A_8] {strides = array<i32>} : memref<128xf32, #tpu.memory_space<vmem>>, vector<16xf32>,
    %get3A_10 = arith.constant 80 : index
    %get3A_11 = tpu.vector_load %arg11[%get3A_10] {strides = array<i32>} : memref<128xf32, #tpu.memory_space<vmem>>, vector<16xf32>,
    %get3A_12 = arith.constant 96 : index
    %get3A_13 = tpu.vector_load %arg11[%get3A_12] {strides = array<i32>} : memref<128xf32, #tpu.memory_space<vmem>>, vector<16xf32>,
    %get3A_14 = arith.constant 112 : index
    %get3A_15 = tpu.vector_load %arg11[%get3A_14] {strides = array<i32>} : memref<128xf32, #tpu.memory_space<vmem>>, vector<16xf32>,
    %broadcast_in_dim3A = arith.constant 0.000000e+00 : f32
    %broadcast_in_dim3A_16 = vector.broadcast %broadcast_in_dim3A : f32 to vector<16xf32>
    %scan3A = arith.constant 0 : i32
    %scan3A_17 = arith.constant 0 : i32
    %scan3A_18 = arith.constant 64 : i32
    %scan3A_19 = arith.addi %scan3A_17, %scan3A_18 : i32
    %scan3A_20 = arith.constant 1 : i32
    scf.for %scan3A_40 = %scan3A_17 to %scan3A_19 step %scan3A_20  : i32 {
      %swap3A_41 = arith.index_cast %scan3A_40 : i32 to index
      %swap3A_42 = arith.constant 0 : index
      %swap3A_43 = tpu.vector_load %arg12[%swap3A_41, %swap3A_42] {strides = array<i32>} : memref<64x128xf32, #tpu.memory_space<vmem>>, vector<16xf32>,
      tpu.vector_store %arg12[%swap3A_41, %swap3A_42], %broadcast_in_dim3A_16 {strides = array<i32>} : memref<64x128xf32, #tpu.memory_space<vmem>>, vector<16xf32>,
      %swap3A_44 = arith.index_cast %scan3A_40 : i32 to index
      %swap3A_45 = arith.constant 16 : index
      %swap3A_46 = tpu.vector_load %arg12[%swap3A_44, %swap3A_45] {strides = array<i32>} : memref<64x128xf32, #tpu.memory_space<vmem>>, vector<16xf32>,
      tpu.vector_store %arg12[%swap3A_44, %swap3A_45], %broadcast_in_dim3A_16 {strides = array<i32>} : memref<64x128xf32, #tpu.memory_space<vmem>>, vector<16xf32>,
      %swap3A_47 = arith.index_cast %scan3A_40 : i32 to index
      %swap3A_48 = arith.constant 32 : index
      %swap3A_49 = tpu.vector_load %arg12[%swap3A_47, %swap3A_48] {strides = array<i32>} : memref<64x128xf32, #tpu.memory_space<vmem>>, vector<16xf32>,
      tpu.vector_store %arg12[%swap3A_47, %swap3A_48], %broadcast_in_dim3A_16 {strides = array<i32>} : memref<64x128xf32, #tpu.memory_space<vmem>>, vector<16xf32>,
      %swap3A_50 = arith.index_cast %scan3A_40 : i32 to index
      %swap3A_51 = arith.constant 48 : index
      %swap3A_52 = tpu.vector_load %arg12[%swap3A_50, %swap3A_51] {strides = array<i32>} : memref<64x128xf32, #tpu.memory_space<vmem>>, vector<16xf32>,
      tpu.vector_store %arg12[%swap3A_50, %swap3A_51], %broadcast_in_dim3A_16 {strides = array<i32>} : memref<64x128xf32, #tpu.memory_space<vmem>>, vector<16xf32>,
      %swap3A_53 = arith.index_cast %scan3A_40 : i32 to index
      %swap3A_54 = arith.constant 64 : index
      %swap3A_55 = tpu.vector_load %arg12[%swap3A_53, %swap3A_54] {strides = array<i32>} : memref<64x128xf32, #tpu.memory_space<vmem>>, vector<16xf32>,
      tpu.vector_store %arg12[%swap3A_53, %swap3A_54], %broadcast_in_dim3A_16 {strides = array<i32>} : memref<64x128xf32, #tpu.memory_space<vmem>>, vector<16xf32>,
      %swap3A_56 = arith.index_cast %scan3A_40 : i32 to index
      %swap3A_57 = arith.constant 80 : index
      %swap3A_58 = tpu.vector_load %arg12[%swap3A_56, %swap3A_57] {strides = array<i32>} : memref<64x128xf32, #tpu.memory_space<vmem>>, vector<16xf32>,
      tpu.vector_store %arg12[%swap3A_56, %swap3A_57], %broadcast_in_dim3A_16 {strides = array<i32>} : memref<64x128xf32, #tpu.memory_space<vmem>>, vector<16xf32>,
      %swap3A_59 = arith.index_cast %scan3A_40 : i32 to index
      %swap3A_60 = arith.constant 96 : index
      %swap3A_61 = tpu.vector_load %arg12[%swap3A_59, %swap3A_60] {strides = array<i32>} : memref<64x128xf32, #tpu.memory_space<vmem>>, vector<16xf32>,
      tpu.vector_store %arg12[%swap3A_59, %swap3A_60], %broadcast_in_dim3A_16 {strides = array<i32>} : memref<64x128xf32, #tpu.memory_space<vmem>>, vector<16xf32>,
      %swap3A_62 = arith.index_cast %scan3A_40 : i32 to index
      %swap3A_63 = arith.constant 112 : index
      %swap3A_64 = tpu.vector_load %arg12[%swap3A_62, %swap3A_63] {strides = array<i32>} : memref<64x128xf32, #tpu.memory_space<vmem>>, vector<16xf32>,
      tpu.vector_store %arg12[%swap3A_62, %swap3A_63], %broadcast_in_dim3A_16 {strides = array<i32>} : memref<64x128xf32, #tpu.memory_space<vmem>>, vector<16xf32>,
    }
    %scan3A_21 = arith.constant 64 : i32
    %swap3A = arith.constant 0 : index
    %swap3A_22 = tpu.vector_load %arg13[%swap3A] {strides = array<i32>} : memref<16xf32, #tpu.memory_space<vmem>>, vector<16xf32>,
    tpu.vector_store %arg13[%swap3A], %broadcast_in_dim3A_16 {strides = array<i32>} : memref<16xf32, #tpu.memory_space<vmem>>, vector<16xf32>,
    %mul3A_23 = arith.constant 400 : i32
    %mul3A_24 = arith.muli %add3A, %mul3A_23 : i32
    %dma_start3A = arith.constant 0 : i32
    %dma_start3A_25 = tpu.memref_slice %arg2[%mul3A_24, %dma_start3A] : memref<100000x128xf32, #tpu.memory_space<hbm>> -> memref<400x128xf32, #tpu.memory_space<hbm>>
    %dma_start3A_26 = arith.constant 0 : i32
    %dma_start3A_27 = tpu.memref_slice %arg2[%mul3A_24, %dma_start3A_26] : memref<100000x128xf32, #tpu.memory_space<hbm>> -> memref<400x128xf32, #tpu.memory_space<hbm>>
    tpu.enqueue_dma source(%dma_start3A_27 : memref<400x128xf32, #tpu.memory_space<hbm>>) target(%arg7 : memref<400x128xf32, #tpu.memory_space<vmem>>) target_semaphore(%arg14 : memref<!tpu.dma_semaphore, #tpu.memory_space<semaphore_mem>>)
    %dma_start3A_28 = arith.constant 0 : i32
    %dma_start3A_29 = tpu.memref_slice %arg9[%dma_start3A_28] : memref<416xi32, #tpu.memory_space<vmem>> -> memref<400xi32, #tpu.memory_space<vmem>>
    %dma_start3A_30 = tpu.memref_slice %arg3[%mul3A_24] : memref<100000xi32, #tpu.memory_space<hbm>> -> memref<400xi32, #tpu.memory_space<hbm>>
    %dma_start3A_31 = arith.constant 0 : i32
    %dma_start3A_32 = tpu.memref_slice %arg9[%dma_start3A_31] : memref<416xi32, #tpu.memory_space<vmem>> -> memref<400xi32, #tpu.memory_space<vmem>>
    %dma_start3A_33 = tpu.memref_slice %arg3[%mul3A_24] : memref<100000xi32, #tpu.memory_space<hbm>> -> memref<400xi32, #tpu.memory_space<hbm>>
    tpu.enqueue_dma source(%dma_start3A_33 : memref<400xi32, #tpu.memory_space<hbm>>) target(%dma_start3A_32 : memref<400xi32, #tpu.memory_space<vmem>>) target_semaphore(%arg14 : memref<!tpu.dma_semaphore, #tpu.memory_space<semaphore_mem>>)
    %scan3A_34 = arith.constant 0 : i32
    %scan3A_35 = arith.constant 0 : i32
    %scan3A_36 = arith.constant 3 : i32
    %scan3A_37 = arith.addi %scan3A_35, %scan3A_36 : i32
    %scan3A_38 = arith.constant 1 : i32
    scf.for %scan3A_40 = %scan3A_35 to %scan3A_37 step %scan3A_38  : i32 {
      %mul3A_41 = arith.constant 32 : i32
      %mul3A_42 = arith.muli %scan3A_40, %mul3A_41 : i32
      %add3A_43 = arith.addi %add3A, %mul3A_42 : i32
      %lt3A = arith.constant 90 : i32
      %lt3A_44 = arith.cmpi slt, %add3A_43, %lt3A : i32
      %convert_element_type3A = arith.extui %lt3A_44 : i1 to i32
      %cond3A = arith.constant 0 : i32
      %cond3A_45 = arith.cmpi ne, %convert_element_type3A, %cond3A : i32
      scf.if %cond3A_45 {
        %jit3A = arith.constant 2 : i32
        %eq3A = arith.constant 0 : i32
        %eq3A_46 = arith.cmpi eq, %jit3A, %eq3A : i32
        %jit3A_47 = arith.constant 1 : i32
        %select_n3A = arith.select %eq3A_46, %jit3A_47, %jit3A : i32
        %rem3A = arith.remsi %scan3A_40, %select_n3A : i32
        %ne3A = arith.constant 0 : i32
        %ne3A_48 = arith.cmpi ne, %rem3A, %ne3A : i32
        %lt3A_49 = arith.constant 0 : i32
        %lt3A_50 = arith.cmpi slt, %rem3A, %lt3A_49 : i32
        %lt3A_51 = arith.constant 0 : i32
        %lt3A_52 = arith.cmpi slt, %select_n3A, %lt3A_51 : i32
        %ne3A_53 = arith.xori %lt3A_50, %lt3A_52 : i1
        %and3A = arith.andi %ne3A_53, %ne3A_48 : i1
        %add3A_54 = arith.addi %rem3A, %select_n3A : i32
        %select_n3A_55 = arith.select %and3A, %add3A_54, %rem3A : i32
        %eq3A_56 = arith.constant 0 : i32
        %eq3A_57 = arith.cmpi eq, %select_n3A_55, %eq3A_56 : i32
        %convert_element_type3A_58 = arith.extui %eq3A_57 : i1 to i32
        %cond3A_59 = arith.constant 0 : i32
        %cond3A_60 = arith.cmpi ne, %convert_element_type3A_58, %cond3A_59 : i32
        scf.if %cond3A_60 {
          %add3A_61 = arith.constant 32 : i32
          %add3A_62 = arith.addi %add3A_43, %add3A_61 : i32
          %lt3A_63 = arith.constant 90 : i32
          %lt3A_64 = arith.cmpi slt, %add3A_62, %lt3A_63 : i32
          %convert_element_type3A_65 = arith.extui %lt3A_64 : i1 to i32
          %cond3A_66 = arith.constant 0 : i32
          %cond3A_67 = arith.cmpi ne, %convert_element_type3A_65, %cond3A_66 : i32
          scf.if %cond3A_67 {
            %mul3A_87 = arith.constant 400 : i32
            %mul3A_88 = arith.muli %add3A_62, %mul3A_87 : i32
            %dma_start3A_89 = arith.constant 0 : i32
            %dma_start3A_90 = tpu.memref_slice %arg2[%mul3A_88, %dma_start3A_89] : memref<100000x128xf32, #tpu.memory_space<hbm>> -> memref<400x128xf32, #tpu.memory_space<hbm>>
            %dma_start3A_91 = arith.constant 0 : i32
            %dma_start3A_92 = tpu.memref_slice %arg2[%mul3A_88, %dma_start3A_91] : memref<100000x128xf32, #tpu.memory_space<hbm>> -> memref<400x128xf32, #tpu.memory_space<hbm>>
            tpu.enqueue_dma source(%dma_start3A_92 : memref<400x128xf32, #tpu.memory_space<hbm>>) target(%arg8 : memref<400x128xf32, #tpu.memory_space<vmem>>) target_semaphore(%arg15 : memref<!tpu.dma_semaphore, #tpu.memory_space<semaphore_mem>>)
            %dma_start3A_93 = arith.constant 0 : i32
            %dma_start3A_94 = tpu.memref_slice %arg10[%dma_start3A_93] : memref<416xi32, #tpu.memory_space<vmem>> -> memref<400xi32, #tpu.memory_space<vmem>>
            %dma_start3A_95 = tpu.memref_slice %arg3[%mul3A_88] : memref<100000xi32, #tpu.memory_space<hbm>> -> memref<400xi32, #tpu.memory_space<hbm>>
            %dma_start3A_96 = arith.constant 0 : i32
            %dma_start3A_97 = tpu.memref_slice %arg10[%dma_start3A_96] : memref<416xi32, #tpu.memory_space<vmem>> -> memref<400xi32, #tpu.memory_space<vmem>>
            %dma_start3A_98 = tpu.memref_slice %arg3[%mul3A_88] : memref<100000xi32, #tpu.memory_space<hbm>> -> memref<400xi32, #tpu.memory_space<hbm>>
            tpu.enqueue_dma source(%dma_start3A_98 : memref<400xi32, #tpu.memory_space<hbm>>) target(%dma_start3A_97 : memref<400xi32, #tpu.memory_space<vmem>>) target_semaphore(%arg15 : memref<!tpu.dma_semaphore, #tpu.memory_space<semaphore_mem>>)
          } else {
          }
          %dma_wait3A = arith.constant 0 : i32
          %dma_wait3A_68 = arith.constant 0 : i32
          %dma_wait3A_69 = tpu.memref_slice %arg2[%dma_wait3A, %dma_wait3A_68] : memref<100000x128xf32, #tpu.memory_space<hbm>> -> memref<400x128xf32, #tpu.memory_space<hbm>>
          %dma_wait3A_70 = arith.constant 0 : i32
          %dma_wait3A_71 = arith.constant 0 : i32
          %dma_wait3A_72 = tpu.memref_slice %arg2[%dma_wait3A_70, %dma_wait3A_71] : memref<100000x128xf32, #tpu.memory_space<hbm>> -> memref<400x128xf32, #tpu.memory_space<hbm>>
          tpu.wait_dma2 semaphore(%arg14 : memref<!tpu.dma_semaphore, #tpu.memory_space<semaphore_mem>>) src(%dma_wait3A_72 : memref<400x128xf32, #tpu.memory_space<hbm>>) dst(%arg7 : memref<400x128xf32, #tpu.memory_space<vmem>>)
          %dma_wait3A_73 = arith.constant 0 : i32
          %dma_wait3A_74 = tpu.memref_slice %arg9[%dma_wait3A_73] : memref<416xi32, #tpu.memory_space<vmem>> -> memref<400xi32, #tpu.memory_space<vmem>>
          %dma_wait3A_75 = arith.constant 0 : i32
          %dma_wait3A_76 = tpu.memref_slice %arg3[%dma_wait3A_75] : memref<100000xi32, #tpu.memory_space<hbm>> -> memref<400xi32, #tpu.memory_space<hbm>>
          %dma_wait3A_77 = arith.constant 0 : i32
          %dma_wait3A_78 = tpu.memref_slice %arg9[%dma_wait3A_77] : memref<416xi32, #tpu.memory_space<vmem>> -> memref<400xi32, #tpu.memory_space<vmem>>
          %dma_wait3A_79 = arith.constant 0 : i32
          %dma_wait3A_80 = tpu.memref_slice %arg3[%dma_wait3A_79] : memref<100000xi32, #tpu.memory_space<hbm>> -> memref<400xi32, #tpu.memory_space<hbm>>
          tpu.wait_dma2 semaphore(%arg14 : memref<!tpu.dma_semaphore, #tpu.memory_space<semaphore_mem>>) src(%dma_wait3A_80 : memref<400xi32, #tpu.memory_space<hbm>>) dst(%dma_wait3A_78 : memref<400xi32, #tpu.memory_space<vmem>>)
          %scan3A_81 = arith.constant 0 : i32
          %scan3A_82 = arith.constant 0 : i32
          %scan3A_83 = arith.constant 5 : i32
          %scan3A_84 = arith.addi %scan3A_82, %scan3A_83 : i32
          %scan3A_85 = arith.constant 1 : i32
          scf.for %scan3A_87 = %scan3A_82 to %scan3A_84 step %scan3A_85  : i32 {
            %mul3A_88 = arith.constant 80 : i32
            %mul3A_89 = arith.muli %scan3A_87, %mul3A_88 : i32
            %get3A_90 = arith.index_cast %mul3A_89 : i32 to index
            %get3A_91 = tpu.vector_load %arg9[%get3A_90] {strides = array<i32>} : memref<416xi32, #tpu.memory_space<vmem>>, vector<16xi32>,
            %slice3A = vector.extract_strided_slice %get3A_91 {offsets = [0], sizes = [1], strides = [1]} : vector<16xi32> to vector<1xi32>
            %squeeze3A = vector.extract %slice3A[0] : i32 from vector<1xi32>
            %add3A_92 = arith.constant 80 : i32
            %add3A_93 = arith.addi %mul3A_89, %add3A_92 : i32
            %sub3A = arith.constant 16 : i32
            %sub3A_94 = arith.subi %add3A_93, %sub3A : i32
            %get3A_95 = arith.index_cast %sub3A_94 : i32 to index
            %get3A_96 = tpu.vector_load %arg9[%get3A_95] {strides = array<i32>} : memref<416xi32, #tpu.memory_space<vmem>>, vector<16xi32>,
            %slice3A_97 = vector.extract_strided_slice %get3A_96 {offsets = [15], sizes = [1], strides = [1]} : vector<16xi32> to vector<1xi32>
            %squeeze3A_98 = vector.extract %slice3A_97[0] : i32 from vector<1xi32>
            %eq3A_99 = arith.cmpi eq, %squeeze3A, %squeeze3A_98 : i32
            %convert_element_type3A_100 = arith.extui %eq3A_99 : i1 to i32
            %cond3A_101 = arith.constant 0 : i32
            %cond3A_102 = arith.cmpi ne, %convert_element_type3A_100, %cond3A_101 : i32
            scf.if %cond3A_102 {
              %parallel_loop3A = arith.constant 0 : i32
              %parallel_loop3A_103 = arith.constant 80 : i32
              %parallel_loop3A_104 = arith.constant 1 : i32
              %parallel_loop3A_105 = scf.for %parallel_loop3A_108 = %parallel_loop3A to %parallel_loop3A_103 step %parallel_loop3A_104 iter_args(%parallel_loop3A_109 = %broadcast_in_dim3A_16) -> (vector<16xf32>)  : i32 {
                %parallel_loop3A_110 = arith.addi %mul3A_89, %parallel_loop3A_108 : i32
                %parallel_loop3A_111 = arith.index_cast %parallel_loop3A_110 : i32 to index
                %parallel_loop3A_112 = arith.constant 0 : index
                %parallel_loop3A_113 = tpu.vector_load %arg7[%parallel_loop3A_111, %parallel_loop3A_112] {strides = array<i32>} : memref<400x128xf32, #tpu.memory_space<vmem>>, vector<16xf32>,
                %parallel_loop3A_114 = arith.index_cast %parallel_loop3A_110 : i32 to index
                %parallel_loop3A_115 = arith.constant 16 : index
                %parallel_loop3A_116 = tpu.vector_load %arg7[%parallel_loop3A_114, %parallel_loop3A_115] {strides = array<i32>} : memref<400x128xf32, #tpu.memory_space<vmem>>, vector<16xf32>,
                %parallel_loop3A_117 = arith.index_cast %parallel_loop3A_110 : i32 to index
                %parallel_loop3A_118 = arith.constant 32 : index
                %parallel_loop3A_119 = tpu.vector_load %arg7[%parallel_loop3A_117, %parallel_loop3A_118] {strides = array<i32>} : memref<400x128xf32, #tpu.memory_space<vmem>>, vector<16xf32>,
                %parallel_loop3A_120 = arith.index_cast %parallel_loop3A_110 : i32 to index
                %parallel_loop3A_121 = arith.constant 48 : index
                %parallel_loop3A_122 = tpu.vector_load %arg7[%parallel_loop3A_120, %parallel_loop3A_121] {strides = array<i32>} : memref<400x128xf32, #tpu.memory_space<vmem>>, vector<16xf32>,
                %parallel_loop3A_123 = arith.index_cast %parallel_loop3A_110 : i32 to index
                %parallel_loop3A_124 = arith.constant 64 : index
                %parallel_loop3A_125 = tpu.vector_load %arg7[%parallel_loop3A_123, %parallel_loop3A_124] {strides = array<i32>} : memref<400x128xf32, #tpu.memory_space<vmem>>, vector<16xf32>,
                %parallel_loop3A_126 = arith.index_cast %parallel_loop3A_110 : i32 to index
                %parallel_loop3A_127 = arith.constant 80 : index
                %parallel_loop3A_128 = tpu.vector_load %arg7[%parallel_loop3A_126, %parallel_loop3A_127] {strides = array<i32>} : memref<400x128xf32, #tpu.memory_space<vmem>>, vector<16xf32>,
                %parallel_loop3A_129 = arith.index_cast %parallel_loop3A_110 : i32 to index
                %parallel_loop3A_130 = arith.constant 96 : index
                %parallel_loop3A_131 = tpu.vector_load %arg7[%parallel_loop3A_129, %parallel_loop3A_130] {strides = array<i32>} : memref<400x128xf32, #tpu.memory_space<vmem>>, vector<16xf32>,
                %parallel_loop3A_132 = arith.index_cast %parallel_loop3A_110 : i32 to index
                %parallel_loop3A_133 = arith.constant 112 : index
                %parallel_loop3A_134 = tpu.vector_load %arg7[%parallel_loop3A_132, %parallel_loop3A_133] {strides = array<i32>} : memref<400x128xf32, #tpu.memory_space<vmem>>, vector<16xf32>,
                %parallel_loop3A_135 = arith.mulf %parallel_loop3A_113, %get3A_1 : vector<16xf32>
                %parallel_loop3A_136 = arith.mulf %parallel_loop3A_116, %get3A_3 : vector<16xf32>
                %parallel_loop3A_137 = arith.addf %parallel_loop3A_135, %parallel_loop3A_136 : vector<16xf32>
                %parallel_loop3A_138 = arith.mulf %parallel_loop3A_119, %get3A_5 : vector<16xf32>
                %parallel_loop3A_139 = arith.addf %parallel_loop3A_137, %parallel_loop3A_138 : vector<16xf32>
                %parallel_loop3A_140 = arith.mulf %parallel_loop3A_122, %get3A_7 : vector<16xf32>
                %parallel_loop3A_141 = arith.addf %parallel_loop3A_139, %parallel_loop3A_140 : vector<16xf32>
                %parallel_loop3A_142 = arith.mulf %parallel_loop3A_125, %get3A_9 : vector<16xf32>
                %parallel_loop3A_143 = arith.addf %parallel_loop3A_141, %parallel_loop3A_142 : vector<16xf32>
                %parallel_loop3A_144 = arith.mulf %parallel_loop3A_128, %get3A_11 : vector<16xf32>
                %parallel_loop3A_145 = arith.addf %parallel_loop3A_143, %parallel_loop3A_144 : vector<16xf32>
                %parallel_loop3A_146 = arith.mulf %parallel_loop3A_131, %get3A_13 : vector<16xf32>
                %parallel_loop3A_147 = arith.addf %parallel_loop3A_145, %parallel_loop3A_146 : vector<16xf32>
                %parallel_loop3A_148 = arith.mulf %parallel_loop3A_134, %get3A_15 : vector<16xf32>
                %parallel_loop3A_149 = arith.addf %parallel_loop3A_147, %parallel_loop3A_148 : vector<16xf32>
                %parallel_loop3A_150 = arith.constant true
                %parallel_loop3A_151 = vector.broadcast %parallel_loop3A_150 : i1 to vector<16xi1>
                %parallel_loop3A_152 = tpu.scan <sum>, %parallel_loop3A_149 masked %parallel_loop3A_151 : vector<16xf32>, vector<16xi1> -> vector<16xf32>
                %parallel_loop3A_153 = vector.extract %parallel_loop3A_152[15] : f32 from vector<16xf32>
                %parallel_loop3A_154 = vector.broadcast %parallel_loop3A_153 : f32 to vector<16xf32>
                %parallel_loop3A_155 = arith.constant 6.000000e+01 : f32
                %parallel_loop3A_156 = vector.broadcast %parallel_loop3A_155 : f32 to vector<16xf32>
                %parallel_loop3A_157 = arith.minimumf %parallel_loop3A_154, %parallel_loop3A_156 : vector<16xf32>
                %parallel_loop3A_158 = math.exp %parallel_loop3A_157 : vector<16xf32>
                %parallel_loop3A_159 = arith.mulf %parallel_loop3A_113, %parallel_loop3A_158 : vector<16xf32>
                %parallel_loop3A_160 = arith.index_cast %squeeze3A : i32 to index
                %parallel_loop3A_161 = arith.constant 0 : index
                %parallel_loop3A_162 = tpu.vector_load %arg12[%parallel_loop3A_160, %parallel_loop3A_161] {strides = array<i32>} : memref<64x128xf32, #tpu.memory_space<vmem>>, vector<16xf32>,
                tpu.vector_store %arg12[%parallel_loop3A_160, %parallel_loop3A_161], %parallel_loop3A_159 {add = true, strides = array<i32>} : memref<64x128xf32, #tpu.memory_space<vmem>>, vector<16xf32>,
                %parallel_loop3A_163 = arith.mulf %parallel_loop3A_116, %parallel_loop3A_158 : vector<16xf32>
                %parallel_loop3A_164 = arith.index_cast %squeeze3A : i32 to index
                %parallel_loop3A_165 = arith.constant 16 : index
                %parallel_loop3A_166 = tpu.vector_load %arg12[%parallel_loop3A_164, %parallel_loop3A_165] {strides = array<i32>} : memref<64x128xf32, #tpu.memory_space<vmem>>, vector<16xf32>,
                tpu.vector_store %arg12[%parallel_loop3A_164, %parallel_loop3A_165], %parallel_loop3A_163 {add = true, strides = array<i32>} : memref<64x128xf32, #tpu.memory_space<vmem>>, vector<16xf32>,
                %parallel_loop3A_167 = arith.mulf %parallel_loop3A_119, %parallel_loop3A_158 : vector<16xf32>
                %parallel_loop3A_168 = arith.index_cast %squeeze3A : i32 to index
                %parallel_loop3A_169 = arith.constant 32 : index
                %parallel_loop3A_170 = tpu.vector_load %arg12[%parallel_loop3A_168, %parallel_loop3A_169] {strides = array<i32>} : memref<64x128xf32, #tpu.memory_space<vmem>>, vector<16xf32>,
                tpu.vector_store %arg12[%parallel_loop3A_168, %parallel_loop3A_169], %parallel_loop3A_167 {add = true, strides = array<i32>} : memref<64x128xf32, #tpu.memory_space<vmem>>, vector<16xf32>,
                %parallel_loop3A_171 = arith.mulf %parallel_loop3A_122, %parallel_loop3A_158 : vector<16xf32>
                %parallel_loop3A_172 = arith.index_cast %squeeze3A : i32 to index
                %parallel_loop3A_173 = arith.constant 48 : index
                %parallel_loop3A_174 = tpu.vector_load %arg12[%parallel_loop3A_172, %parallel_loop3A_173] {strides = array<i32>} : memref<64x128xf32, #tpu.memory_space<vmem>>, vector<16xf32>,
                tpu.vector_store %arg12[%parallel_loop3A_172, %parallel_loop3A_173], %parallel_loop3A_171 {add = true, strides = array<i32>} : memref<64x128xf32, #tpu.memory_space<vmem>>, vector<16xf32>,
                %parallel_loop3A_175 = arith.mulf %parallel_loop3A_125, %parallel_loop3A_158 : vector<16xf32>
                %parallel_loop3A_176 = arith.index_cast %squeeze3A : i32 to index
                %parallel_loop3A_177 = arith.constant 64 : index
                %parallel_loop3A_178 = tpu.vector_load %arg12[%parallel_loop3A_176, %parallel_loop3A_177] {strides = array<i32>} : memref<64x128xf32, #tpu.memory_space<vmem>>, vector<16xf32>,
                tpu.vector_store %arg12[%parallel_loop3A_176, %parallel_loop3A_177], %parallel_loop3A_175 {add = true, strides = array<i32>} : memref<64x128xf32, #tpu.memory_space<vmem>>, vector<16xf32>,
                %parallel_loop3A_179 = arith.mulf %parallel_loop3A_128, %parallel_loop3A_158 : vector<16xf32>
                %parallel_loop3A_180 = arith.index_cast %squeeze3A : i32 to index
                %parallel_loop3A_181 = arith.constant 80 : index
                %parallel_loop3A_182 = tpu.vector_load %arg12[%parallel_loop3A_180, %parallel_loop3A_181] {strides = array<i32>} : memref<64x128xf32, #tpu.memory_space<vmem>>, vector<16xf32>,
                tpu.vector_store %arg12[%parallel_loop3A_180, %parallel_loop3A_181], %parallel_loop3A_179 {add = true, strides = array<i32>} : memref<64x128xf32, #tpu.memory_space<vmem>>, vector<16xf32>,
                %parallel_loop3A_183 = arith.mulf %parallel_loop3A_131, %parallel_loop3A_158 : vector<16xf32>
                %parallel_loop3A_184 = arith.index_cast %squeeze3A : i32 to index
                %parallel_loop3A_185 = arith.constant 96 : index
                %parallel_loop3A_186 = tpu.vector_load %arg12[%parallel_loop3A_184, %parallel_loop3A_185] {strides = array<i32>} : memref<64x128xf32, #tpu.memory_space<vmem>>, vector<16xf32>,
                tpu.vector_store %arg12[%parallel_loop3A_184, %parallel_loop3A_185], %parallel_loop3A_183 {add = true, strides = array<i32>} : memref<64x128xf32, #tpu.memory_space<vmem>>, vector<16xf32>,
                %parallel_loop3A_187 = arith.mulf %parallel_loop3A_134, %parallel_loop3A_158 : vector<16xf32>
                %parallel_loop3A_188 = arith.index_cast %squeeze3A : i32 to index
                %parallel_loop3A_189 = arith.constant 112 : index
                %parallel_loop3A_190 = tpu.vector_load %arg12[%parallel_loop3A_188, %parallel_loop3A_189] {strides = array<i32>} : memref<64x128xf32, #tpu.memory_space<vmem>>, vector<16xf32>,
                tpu.vector_store %arg12[%parallel_loop3A_188, %parallel_loop3A_189], %parallel_loop3A_187 {add = true, strides = array<i32>} : memref<64x128xf32, #tpu.memory_space<vmem>>, vector<16xf32>,
                %parallel_loop3A_191 = arith.addf %parallel_loop3A_109, %parallel_loop3A_158 : vector<16xf32>
                scf.yield %parallel_loop3A_191 : vector<16xf32>
              } {sc.loop_unroll_factor = 1 : i64, sc.parallel_access}
              %swap3A_106 = arith.constant 0 : index
              %swap3A_107 = tpu.vector_load %arg13[%swap3A_106] {strides = array<i32>} : memref<16xf32, #tpu.memory_space<vmem>>, vector<16xf32>,
              tpu.vector_store %arg13[%swap3A_106], %parallel_loop3A_105 {add = true, strides = array<i32>} : memref<16xf32, #tpu.memory_space<vmem>>, vector<16xf32>,
            } else {
              %scan3A_103 = arith.constant 0 : i32
              %scan3A_104 = arith.constant 80 : i32
              %scan3A_105 = arith.addi %scan3A_103, %scan3A_104 : i32
              %scan3A_106 = arith.constant 1 : i32
              %scan3A_107 = scf.for %scan3A_111 = %scan3A_103 to %scan3A_105 step %scan3A_106 iter_args(%scan3A_112 = %broadcast_in_dim3A_16) -> (vector<16xf32>)  : i32 {
                %add3A_113 = arith.addi %mul3A_89, %scan3A_111 : i32
                %get3A_114 = arith.index_cast %add3A_113 : i32 to index
                %get3A_115 = arith.constant 0 : index
                %get3A_116 = tpu.vector_load %arg7[%get3A_114, %get3A_115] {strides = array<i32>} : memref<400x128xf32, #tpu.memory_space<vmem>>, vector<16xf32>,
                %get3A_117 = arith.index_cast %add3A_113 : i32 to index
                %get3A_118 = arith.constant 16 : index
                %get3A_119 = tpu.vector_load %arg7[%get3A_117, %get3A_118] {strides = array<i32>} : memref<400x128xf32, #tpu.memory_space<vmem>>, vector<16xf32>,
                %get3A_120 = arith.index_cast %add3A_113 : i32 to index
                %get3A_121 = arith.constant 32 : index
                %get3A_122 = tpu.vector_load %arg7[%get3A_120, %get3A_121] {strides = array<i32>} : memref<400x128xf32, #tpu.memory_space<vmem>>, vector<16xf32>,
                %get3A_123 = arith.index_cast %add3A_113 : i32 to index
                %get3A_124 = arith.constant 48 : index
                %get3A_125 = tpu.vector_load %arg7[%get3A_123, %get3A_124] {strides = array<i32>} : memref<400x128xf32, #tpu.memory_space<vmem>>, vector<16xf32>,
                %get3A_126 = arith.index_cast %add3A_113 : i32 to index
                %get3A_127 = arith.constant 64 : index
                %get3A_128 = tpu.vector_load %arg7[%get3A_126, %get3A_127] {strides = array<i32>} : memref<400x128xf32, #tpu.memory_space<vmem>>, vector<16xf32>,
                %get3A_129 = arith.index_cast %add3A_113 : i32 to index
                %get3A_130 = arith.constant 80 : index
                %get3A_131 = tpu.vector_load %arg7[%get3A_129, %get3A_130] {strides = array<i32>} : memref<400x128xf32, #tpu.memory_space<vmem>>, vector<16xf32>,
                %get3A_132 = arith.index_cast %add3A_113 : i32 to index
                %get3A_133 = arith.constant 96 : index
                %get3A_134 = tpu.vector_load %arg7[%get3A_132, %get3A_133] {strides = array<i32>} : memref<400x128xf32, #tpu.memory_space<vmem>>, vector<16xf32>,
                %get3A_135 = arith.index_cast %add3A_113 : i32 to index
                %get3A_136 = arith.constant 112 : index
                %get3A_137 = tpu.vector_load %arg7[%get3A_135, %get3A_136] {strides = array<i32>} : memref<400x128xf32, #tpu.memory_space<vmem>>, vector<16xf32>,
                %mul3A_138 = arith.mulf %get3A_116, %get3A_1 : vector<16xf32>
                %mul3A_139 = arith.mulf %get3A_119, %get3A_3 : vector<16xf32>
                %add3A_140 = arith.addf %mul3A_138, %mul3A_139 : vector<16xf32>
                %mul3A_141 = arith.mulf %get3A_122, %get3A_5 : vector<16xf32>
                %add3A_142 = arith.addf %add3A_140, %mul3A_141 : vector<16xf32>
                %mul3A_143 = arith.mulf %get3A_125, %get3A_7 : vector<16xf32>
                %add3A_144 = arith.addf %add3A_142, %mul3A_143 : vector<16xf32>
                %mul3A_145 = arith.mulf %get3A_128, %get3A_9 : vector<16xf32>
                %add3A_146 = arith.addf %add3A_144, %mul3A_145 : vector<16xf32>
                %mul3A_147 = arith.mulf %get3A_131, %get3A_11 : vector<16xf32>
                %add3A_148 = arith.addf %add3A_146, %mul3A_147 : vector<16xf32>
                %mul3A_149 = arith.mulf %get3A_134, %get3A_13 : vector<16xf32>
                %add3A_150 = arith.addf %add3A_148, %mul3A_149 : vector<16xf32>
                %mul3A_151 = arith.mulf %get3A_137, %get3A_15 : vector<16xf32>
                %add3A_152 = arith.addf %add3A_150, %mul3A_151 : vector<16xf32>
                %reduce_sum3A = arith.constant true
                %reduce_sum3A_153 = vector.broadcast %reduce_sum3A : i1 to vector<16xi1>
                %reduce_sum3A_154 = tpu.scan <sum>, %add3A_152 masked %reduce_sum3A_153 : vector<16xf32>, vector<16xi1> -> vector<16xf32>
                %reduce_sum3A_155 = vector.extract %reduce_sum3A_154[15] : f32 from vector<16xf32>
                %broadcast_in_dim3A_156 = vector.broadcast %reduce_sum3A_155 : f32 to vector<16xf32>
                %min3A = arith.constant 6.000000e+01 : f32
                %min3A_157 = vector.broadcast %min3A : f32 to vector<16xf32>
                %min3A_158 = arith.minimumf %broadcast_in_dim3A_156, %min3A_157 : vector<16xf32>
                %exp3A = math.exp %min3A_158 : vector<16xf32>
                %get3A_159 = arith.index_cast %add3A_113 : i32 to index
                %get3A_160 = tpu.vector_load %arg9[%get3A_159] {strides = array<i32>} : memref<416xi32, #tpu.memory_space<vmem>>, vector<16xi32>,
                %slice3A_161 = vector.extract_strided_slice %get3A_160 {offsets = [0], sizes = [1], strides = [1]} : vector<16xi32> to vector<1xi32>
                %squeeze3A_162 = vector.extract %slice3A_161[0] : i32 from vector<1xi32>
                %mul3A_163 = arith.mulf %get3A_116, %exp3A : vector<16xf32>
                %swap3A_164 = arith.index_cast %squeeze3A_162 : i32 to index
                %swap3A_165 = arith.constant 0 : index
                %swap3A_166 = tpu.vector_load %arg12[%swap3A_164, %swap3A_165] {strides = array<i32>} : memref<64x128xf32, #tpu.memory_space<vmem>>, vector<16xf32>,
                tpu.vector_store %arg12[%swap3A_164, %swap3A_165], %mul3A_163 {add = true, strides = array<i32>} : memref<64x128xf32, #tpu.memory_space<vmem>>, vector<16xf32>,
                %mul3A_167 = arith.mulf %get3A_119, %exp3A : vector<16xf32>
                %swap3A_168 = arith.index_cast %squeeze3A_162 : i32 to index
                %swap3A_169 = arith.constant 16 : index
                %swap3A_170 = tpu.vector_load %arg12[%swap3A_168, %swap3A_169] {strides = array<i32>} : memref<64x128xf32, #tpu.memory_space<vmem>>, vector<16xf32>,
                tpu.vector_store %arg12[%swap3A_168, %swap3A_169], %mul3A_167 {add = true, strides = array<i32>} : memref<64x128xf32, #tpu.memory_space<vmem>>, vector<16xf32>,
                %mul3A_171 = arith.mulf %get3A_122, %exp3A : vector<16xf32>
                %swap3A_172 = arith.index_cast %squeeze3A_162 : i32 to index
                %swap3A_173 = arith.constant 32 : index
                %swap3A_174 = tpu.vector_load %arg12[%swap3A_172, %swap3A_173] {strides = array<i32>} : memref<64x128xf32, #tpu.memory_space<vmem>>, vector<16xf32>,
                tpu.vector_store %arg12[%swap3A_172, %swap3A_173], %mul3A_171 {add = true, strides = array<i32>} : memref<64x128xf32, #tpu.memory_space<vmem>>, vector<16xf32>,
                %mul3A_175 = arith.mulf %get3A_125, %exp3A : vector<16xf32>
                %swap3A_176 = arith.index_cast %squeeze3A_162 : i32 to index
                %swap3A_177 = arith.constant 48 : index
                %swap3A_178 = tpu.vector_load %arg12[%swap3A_176, %swap3A_177] {strides = array<i32>} : memref<64x128xf32, #tpu.memory_space<vmem>>, vector<16xf32>,
                tpu.vector_store %arg12[%swap3A_176, %swap3A_177], %mul3A_175 {add = true, strides = array<i32>} : memref<64x128xf32, #tpu.memory_space<vmem>>, vector<16xf32>,
                %mul3A_179 = arith.mulf %get3A_128, %exp3A : vector<16xf32>
                %swap3A_180 = arith.index_cast %squeeze3A_162 : i32 to index
                %swap3A_181 = arith.constant 64 : index
                %swap3A_182 = tpu.vector_load %arg12[%swap3A_180, %swap3A_181] {strides = array<i32>} : memref<64x128xf32, #tpu.memory_space<vmem>>, vector<16xf32>,
                tpu.vector_store %arg12[%swap3A_180, %swap3A_181], %mul3A_179 {add = true, strides = array<i32>} : memref<64x128xf32, #tpu.memory_space<vmem>>, vector<16xf32>,
                %mul3A_183 = arith.mulf %get3A_131, %exp3A : vector<16xf32>
                %swap3A_184 = arith.index_cast %squeeze3A_162 : i32 to index
                %swap3A_185 = arith.constant 80 : index
                %swap3A_186 = tpu.vector_load %arg12[%swap3A_184, %swap3A_185] {strides = array<i32>} : memref<64x128xf32, #tpu.memory_space<vmem>>, vector<16xf32>,
                tpu.vector_store %arg12[%swap3A_184, %swap3A_185], %mul3A_183 {add = true, strides = array<i32>} : memref<64x128xf32, #tpu.memory_space<vmem>>, vector<16xf32>,
                %mul3A_187 = arith.mulf %get3A_134, %exp3A : vector<16xf32>
                %swap3A_188 = arith.index_cast %squeeze3A_162 : i32 to index
                %swap3A_189 = arith.constant 96 : index
                %swap3A_190 = tpu.vector_load %arg12[%swap3A_188, %swap3A_189] {strides = array<i32>} : memref<64x128xf32, #tpu.memory_space<vmem>>, vector<16xf32>,
                tpu.vector_store %arg12[%swap3A_188, %swap3A_189], %mul3A_187 {add = true, strides = array<i32>} : memref<64x128xf32, #tpu.memory_space<vmem>>, vector<16xf32>,
                %mul3A_191 = arith.mulf %get3A_137, %exp3A : vector<16xf32>
                %swap3A_192 = arith.index_cast %squeeze3A_162 : i32 to index
                %swap3A_193 = arith.constant 112 : index
                %swap3A_194 = tpu.vector_load %arg12[%swap3A_192, %swap3A_193] {strides = array<i32>} : memref<64x128xf32, #tpu.memory_space<vmem>>, vector<16xf32>,
                tpu.vector_store %arg12[%swap3A_192, %swap3A_193], %mul3A_191 {add = true, strides = array<i32>} : memref<64x128xf32, #tpu.memory_space<vmem>>, vector<16xf32>,
                %add3A_195 = arith.addf %scan3A_112, %exp3A : vector<16xf32>
                scf.yield %add3A_195 : vector<16xf32>
              }
              %scan3A_108 = arith.constant 80 : i32
              %swap3A_109 = arith.constant 0 : index
              %swap3A_110 = tpu.vector_load %arg13[%swap3A_109] {strides = array<i32>} : memref<16xf32, #tpu.memory_space<vmem>>, vector<16xf32>,
              tpu.vector_store %arg13[%swap3A_109], %scan3A_107 {add = true, strides = array<i32>} : memref<16xf32, #tpu.memory_space<vmem>>, vector<16xf32>,
            }
          }
          %scan3A_86 = arith.constant 5 : i32
        } else {
          %add3A_61 = arith.constant 32 : i32
          %add3A_62 = arith.addi %add3A_43, %add3A_61 : i32
          %lt3A_63 = arith.constant 90 : i32
          %lt3A_64 = arith.cmpi slt, %add3A_62, %lt3A_63 : i32
          %convert_element_type3A_65 = arith.extui %lt3A_64 : i1 to i32
          %cond3A_66 = arith.constant 0 : i32
          %cond3A_67 = arith.cmpi ne, %convert_element_type3A_65, %cond3A_66 : i32
          scf.if %cond3A_67 {
            %mul3A_87 = arith.constant 400 : i32
            %mul3A_88 = arith.muli %add3A_62, %mul3A_87 : i32
            %dma_start3A_89 = arith.constant 0 : i32
            %dma_start3A_90 = tpu.memref_slice %arg2[%mul3A_88, %dma_start3A_89] : memref<100000x128xf32, #tpu.memory_space<hbm>> -> memref<400x128xf32, #tpu.memory_space<hbm>>
            %dma_start3A_91 = arith.constant 0 : i32
            %dma_start3A_92 = tpu.memref_slice %arg2[%mul3A_88, %dma_start3A_91] : memref<100000x128xf32, #tpu.memory_space<hbm>> -> memref<400x128xf32, #tpu.memory_space<hbm>>
            tpu.enqueue_dma source(%dma_start3A_92 : memref<400x128xf32, #tpu.memory_space<hbm>>) target(%arg7 : memref<400x128xf32, #tpu.memory_space<vmem>>) target_semaphore(%arg14 : memref<!tpu.dma_semaphore, #tpu.memory_space<semaphore_mem>>)
            %dma_start3A_93 = arith.constant 0 : i32
            %dma_start3A_94 = tpu.memref_slice %arg9[%dma_start3A_93] : memref<416xi32, #tpu.memory_space<vmem>> -> memref<400xi32, #tpu.memory_space<vmem>>
            %dma_start3A_95 = tpu.memref_slice %arg3[%mul3A_88] : memref<100000xi32, #tpu.memory_space<hbm>> -> memref<400xi32, #tpu.memory_space<hbm>>
            %dma_start3A_96 = arith.constant 0 : i32
            %dma_start3A_97 = tpu.memref_slice %arg9[%dma_start3A_96] : memref<416xi32, #tpu.memory_space<vmem>> -> memref<400xi32, #tpu.memory_space<vmem>>
            %dma_start3A_98 = tpu.memref_slice %arg3[%mul3A_88] : memref<100000xi32, #tpu.memory_space<hbm>> -> memref<400xi32, #tpu.memory_space<hbm>>
            tpu.enqueue_dma source(%dma_start3A_98 : memref<400xi32, #tpu.memory_space<hbm>>) target(%dma_start3A_97 : memref<400xi32, #tpu.memory_space<vmem>>) target_semaphore(%arg14 : memref<!tpu.dma_semaphore, #tpu.memory_space<semaphore_mem>>)
          } else {
          }
          %dma_wait3A = arith.constant 0 : i32
          %dma_wait3A_68 = arith.constant 0 : i32
          %dma_wait3A_69 = tpu.memref_slice %arg2[%dma_wait3A, %dma_wait3A_68] : memref<100000x128xf32, #tpu.memory_space<hbm>> -> memref<400x128xf32, #tpu.memory_space<hbm>>
          %dma_wait3A_70 = arith.constant 0 : i32
          %dma_wait3A_71 = arith.constant 0 : i32
          %dma_wait3A_72 = tpu.memref_slice %arg2[%dma_wait3A_70, %dma_wait3A_71] : memref<100000x128xf32, #tpu.memory_space<hbm>> -> memref<400x128xf32, #tpu.memory_space<hbm>>
          tpu.wait_dma2 semaphore(%arg15 : memref<!tpu.dma_semaphore, #tpu.memory_space<semaphore_mem>>) src(%dma_wait3A_72 : memref<400x128xf32, #tpu.memory_space<hbm>>) dst(%arg8 : memref<400x128xf32, #tpu.memory_space<vmem>>)
          %dma_wait3A_73 = arith.constant 0 : i32
          %dma_wait3A_74 = tpu.memref_slice %arg10[%dma_wait3A_73] : memref<416xi32, #tpu.memory_space<vmem>> -> memref<400xi32, #tpu.memory_space<vmem>>
          %dma_wait3A_75 = arith.constant 0 : i32
          %dma_wait3A_76 = tpu.memref_slice %arg3[%dma_wait3A_75] : memref<100000xi32, #tpu.memory_space<hbm>> -> memref<400xi32, #tpu.memory_space<hbm>>
          %dma_wait3A_77 = arith.constant 0 : i32
          %dma_wait3A_78 = tpu.memref_slice %arg10[%dma_wait3A_77] : memref<416xi32, #tpu.memory_space<vmem>> -> memref<400xi32, #tpu.memory_space<vmem>>
          %dma_wait3A_79 = arith.constant 0 : i32
          %dma_wait3A_80 = tpu.memref_slice %arg3[%dma_wait3A_79] : memref<100000xi32, #tpu.memory_space<hbm>> -> memref<400xi32, #tpu.memory_space<hbm>>
          tpu.wait_dma2 semaphore(%arg15 : memref<!tpu.dma_semaphore, #tpu.memory_space<semaphore_mem>>) src(%dma_wait3A_80 : memref<400xi32, #tpu.memory_space<hbm>>) dst(%dma_wait3A_78 : memref<400xi32, #tpu.memory_space<vmem>>)
          %scan3A_81 = arith.constant 0 : i32
          %scan3A_82 = arith.constant 0 : i32
          %scan3A_83 = arith.constant 5 : i32
          %scan3A_84 = arith.addi %scan3A_82, %scan3A_83 : i32
          %scan3A_85 = arith.constant 1 : i32
          scf.for %scan3A_87 = %scan3A_82 to %scan3A_84 step %scan3A_85  : i32 {
            %mul3A_88 = arith.constant 80 : i32
            %mul3A_89 = arith.muli %scan3A_87, %mul3A_88 : i32
            %get3A_90 = arith.index_cast %mul3A_89 : i32 to index
            %get3A_91 = tpu.vector_load %arg10[%get3A_90] {strides = array<i32>} : memref<416xi32, #tpu.memory_space<vmem>>, vector<16xi32>,
            %slice3A = vector.extract_strided_slice %get3A_91 {offsets = [0], sizes = [1], strides = [1]} : vector<16xi32> to vector<1xi32>
            %squeeze3A = vector.extract %slice3A[0] : i32 from vector<1xi32>
            %add3A_92 = arith.constant 80 : i32
            %add3A_93 = arith.addi %mul3A_89, %add3A_92 : i32
            %sub3A = arith.constant 16 : i32
            %sub3A_94 = arith.subi %add3A_93, %sub3A : i32
            %get3A_95 = arith.index_cast %sub3A_94 : i32 to index
            %get3A_96 = tpu.vector_load %arg10[%get3A_95] {strides = array<i32>} : memref<416xi32, #tpu.memory_space<vmem>>, vector<16xi32>,
            %slice3A_97 = vector.extract_strided_slice %get3A_96 {offsets = [15], sizes = [1], strides = [1]} : vector<16xi32> to vector<1xi32>
            %squeeze3A_98 = vector.extract %slice3A_97[0] : i32 from vector<1xi32>
            %eq3A_99 = arith.cmpi eq, %squeeze3A, %squeeze3A_98 : i32
            %convert_element_type3A_100 = arith.extui %eq3A_99 : i1 to i32
            %cond3A_101 = arith.constant 0 : i32
            %cond3A_102 = arith.cmpi ne, %convert_element_type3A_100, %cond3A_101 : i32
            scf.if %cond3A_102 {
              %parallel_loop3A = arith.constant 0 : i32
              %parallel_loop3A_103 = arith.constant 80 : i32
              %parallel_loop3A_104 = arith.constant 1 : i32
              %parallel_loop3A_105 = scf.for %parallel_loop3A_108 = %parallel_loop3A to %parallel_loop3A_103 step %parallel_loop3A_104 iter_args(%parallel_loop3A_109 = %broadcast_in_dim3A_16) -> (vector<16xf32>)  : i32 {
                %parallel_loop3A_110 = arith.addi %mul3A_89, %parallel_loop3A_108 : i32
                %parallel_loop3A_111 = arith.index_cast %parallel_loop3A_110 : i32 to index
                %parallel_loop3A_112 = arith.constant 0 : index
                %parallel_loop3A_113 = tpu.vector_load %arg8[%parallel_loop3A_111, %parallel_loop3A_112] {strides = array<i32>} : memref<400x128xf32, #tpu.memory_space<vmem>>, vector<16xf32>,
                %parallel_loop3A_114 = arith.index_cast %parallel_loop3A_110 : i32 to index
                %parallel_loop3A_115 = arith.constant 16 : index
                %parallel_loop3A_116 = tpu.vector_load %arg8[%parallel_loop3A_114, %parallel_loop3A_115] {strides = array<i32>} : memref<400x128xf32, #tpu.memory_space<vmem>>, vector<16xf32>,
                %parallel_loop3A_117 = arith.index_cast %parallel_loop3A_110 : i32 to index
                %parallel_loop3A_118 = arith.constant 32 : index
                %parallel_loop3A_119 = tpu.vector_load %arg8[%parallel_loop3A_117, %parallel_loop3A_118] {strides = array<i32>} : memref<400x128xf32, #tpu.memory_space<vmem>>, vector<16xf32>,
                %parallel_loop3A_120 = arith.index_cast %parallel_loop3A_110 : i32 to index
                %parallel_loop3A_121 = arith.constant 48 : index
                %parallel_loop3A_122 = tpu.vector_load %arg8[%parallel_loop3A_120, %parallel_loop3A_121] {strides = array<i32>} : memref<400x128xf32, #tpu.memory_space<vmem>>, vector<16xf32>,
                %parallel_loop3A_123 = arith.index_cast %parallel_loop3A_110 : i32 to index
                %parallel_loop3A_124 = arith.constant 64 : index
                %parallel_loop3A_125 = tpu.vector_load %arg8[%parallel_loop3A_123, %parallel_loop3A_124] {strides = array<i32>} : memref<400x128xf32, #tpu.memory_space<vmem>>, vector<16xf32>,
                %parallel_loop3A_126 = arith.index_cast %parallel_loop3A_110 : i32 to index
                %parallel_loop3A_127 = arith.constant 80 : index
                %parallel_loop3A_128 = tpu.vector_load %arg8[%parallel_loop3A_126, %parallel_loop3A_127] {strides = array<i32>} : memref<400x128xf32, #tpu.memory_space<vmem>>, vector<16xf32>,
                %parallel_loop3A_129 = arith.index_cast %parallel_loop3A_110 : i32 to index
                %parallel_loop3A_130 = arith.constant 96 : index
                %parallel_loop3A_131 = tpu.vector_load %arg8[%parallel_loop3A_129, %parallel_loop3A_130] {strides = array<i32>} : memref<400x128xf32, #tpu.memory_space<vmem>>, vector<16xf32>,
                %parallel_loop3A_132 = arith.index_cast %parallel_loop3A_110 : i32 to index
                %parallel_loop3A_133 = arith.constant 112 : index
                %parallel_loop3A_134 = tpu.vector_load %arg8[%parallel_loop3A_132, %parallel_loop3A_133] {strides = array<i32>} : memref<400x128xf32, #tpu.memory_space<vmem>>, vector<16xf32>,
                %parallel_loop3A_135 = arith.mulf %parallel_loop3A_113, %get3A_1 : vector<16xf32>
                %parallel_loop3A_136 = arith.mulf %parallel_loop3A_116, %get3A_3 : vector<16xf32>
                %parallel_loop3A_137 = arith.addf %parallel_loop3A_135, %parallel_loop3A_136 : vector<16xf32>
                %parallel_loop3A_138 = arith.mulf %parallel_loop3A_119, %get3A_5 : vector<16xf32>
                %parallel_loop3A_139 = arith.addf %parallel_loop3A_137, %parallel_loop3A_138 : vector<16xf32>
                %parallel_loop3A_140 = arith.mulf %parallel_loop3A_122, %get3A_7 : vector<16xf32>
                %parallel_loop3A_141 = arith.addf %parallel_loop3A_139, %parallel_loop3A_140 : vector<16xf32>
                %parallel_loop3A_142 = arith.mulf %parallel_loop3A_125, %get3A_9 : vector<16xf32>
                %parallel_loop3A_143 = arith.addf %parallel_loop3A_141, %parallel_loop3A_142 : vector<16xf32>
                %parallel_loop3A_144 = arith.mulf %parallel_loop3A_128, %get3A_11 : vector<16xf32>
                %parallel_loop3A_145 = arith.addf %parallel_loop3A_143, %parallel_loop3A_144 : vector<16xf32>
                %parallel_loop3A_146 = arith.mulf %parallel_loop3A_131, %get3A_13 : vector<16xf32>
                %parallel_loop3A_147 = arith.addf %parallel_loop3A_145, %parallel_loop3A_146 : vector<16xf32>
                %parallel_loop3A_148 = arith.mulf %parallel_loop3A_134, %get3A_15 : vector<16xf32>
                %parallel_loop3A_149 = arith.addf %parallel_loop3A_147, %parallel_loop3A_148 : vector<16xf32>
                %parallel_loop3A_150 = arith.constant true
                %parallel_loop3A_151 = vector.broadcast %parallel_loop3A_150 : i1 to vector<16xi1>
                %parallel_loop3A_152 = tpu.scan <sum>, %parallel_loop3A_149 masked %parallel_loop3A_151 : vector<16xf32>, vector<16xi1> -> vector<16xf32>
                %parallel_loop3A_153 = vector.extract %parallel_loop3A_152[15] : f32 from vector<16xf32>
                %parallel_loop3A_154 = vector.broadcast %parallel_loop3A_153 : f32 to vector<16xf32>
                %parallel_loop3A_155 = arith.constant 6.000000e+01 : f32
                %parallel_loop3A_156 = vector.broadcast %parallel_loop3A_155 : f32 to vector<16xf32>
                %parallel_loop3A_157 = arith.minimumf %parallel_loop3A_154, %parallel_loop3A_156 : vector<16xf32>
                %parallel_loop3A_158 = math.exp %parallel_loop3A_157 : vector<16xf32>
                %parallel_loop3A_159 = arith.mulf %parallel_loop3A_113, %parallel_loop3A_158 : vector<16xf32>
                %parallel_loop3A_160 = arith.index_cast %squeeze3A : i32 to index
                %parallel_loop3A_161 = arith.constant 0 : index
                %parallel_loop3A_162 = tpu.vector_load %arg12[%parallel_loop3A_160, %parallel_loop3A_161] {strides = array<i32>} : memref<64x128xf32, #tpu.memory_space<vmem>>, vector<16xf32>,
                tpu.vector_store %arg12[%parallel_loop3A_160, %parallel_loop3A_161], %parallel_loop3A_159 {add = true, strides = array<i32>} : memref<64x128xf32, #tpu.memory_space<vmem>>, vector<16xf32>,
                %parallel_loop3A_163 = arith.mulf %parallel_loop3A_116, %parallel_loop3A_158 : vector<16xf32>
                %parallel_loop3A_164 = arith.index_cast %squeeze3A : i32 to index
                %parallel_loop3A_165 = arith.constant 16 : index
                %parallel_loop3A_166 = tpu.vector_load %arg12[%parallel_loop3A_164, %parallel_loop3A_165] {strides = array<i32>} : memref<64x128xf32, #tpu.memory_space<vmem>>, vector<16xf32>,
                tpu.vector_store %arg12[%parallel_loop3A_164, %parallel_loop3A_165], %parallel_loop3A_163 {add = true, strides = array<i32>} : memref<64x128xf32, #tpu.memory_space<vmem>>, vector<16xf32>,
                %parallel_loop3A_167 = arith.mulf %parallel_loop3A_119, %parallel_loop3A_158 : vector<16xf32>
                %parallel_loop3A_168 = arith.index_cast %squeeze3A : i32 to index
                %parallel_loop3A_169 = arith.constant 32 : index
                %parallel_loop3A_170 = tpu.vector_load %arg12[%parallel_loop3A_168, %parallel_loop3A_169] {strides = array<i32>} : memref<64x128xf32, #tpu.memory_space<vmem>>, vector<16xf32>,
                tpu.vector_store %arg12[%parallel_loop3A_168, %parallel_loop3A_169], %parallel_loop3A_167 {add = true, strides = array<i32>} : memref<64x128xf32, #tpu.memory_space<vmem>>, vector<16xf32>,
                %parallel_loop3A_171 = arith.mulf %parallel_loop3A_122, %parallel_loop3A_158 : vector<16xf32>
                %parallel_loop3A_172 = arith.index_cast %squeeze3A : i32 to index
                %parallel_loop3A_173 = arith.constant 48 : index
                %parallel_loop3A_174 = tpu.vector_load %arg12[%parallel_loop3A_172, %parallel_loop3A_173] {strides = array<i32>} : memref<64x128xf32, #tpu.memory_space<vmem>>, vector<16xf32>,
                tpu.vector_store %arg12[%parallel_loop3A_172, %parallel_loop3A_173], %parallel_loop3A_171 {add = true, strides = array<i32>} : memref<64x128xf32, #tpu.memory_space<vmem>>, vector<16xf32>,
                %parallel_loop3A_175 = arith.mulf %parallel_loop3A_125, %parallel_loop3A_158 : vector<16xf32>
                %parallel_loop3A_176 = arith.index_cast %squeeze3A : i32 to index
                %parallel_loop3A_177 = arith.constant 64 : index
                %parallel_loop3A_178 = tpu.vector_load %arg12[%parallel_loop3A_176, %parallel_loop3A_177] {strides = array<i32>} : memref<64x128xf32, #tpu.memory_space<vmem>>, vector<16xf32>,
                tpu.vector_store %arg12[%parallel_loop3A_176, %parallel_loop3A_177], %parallel_loop3A_175 {add = true, strides = array<i32>} : memref<64x128xf32, #tpu.memory_space<vmem>>, vector<16xf32>,
                %parallel_loop3A_179 = arith.mulf %parallel_loop3A_128, %parallel_loop3A_158 : vector<16xf32>
                %parallel_loop3A_180 = arith.index_cast %squeeze3A : i32 to index
                %parallel_loop3A_181 = arith.constant 80 : index
                %parallel_loop3A_182 = tpu.vector_load %arg12[%parallel_loop3A_180, %parallel_loop3A_181] {strides = array<i32>} : memref<64x128xf32, #tpu.memory_space<vmem>>, vector<16xf32>,
                tpu.vector_store %arg12[%parallel_loop3A_180, %parallel_loop3A_181], %parallel_loop3A_179 {add = true, strides = array<i32>} : memref<64x128xf32, #tpu.memory_space<vmem>>, vector<16xf32>,
                %parallel_loop3A_183 = arith.mulf %parallel_loop3A_131, %parallel_loop3A_158 : vector<16xf32>
                %parallel_loop3A_184 = arith.index_cast %squeeze3A : i32 to index
                %parallel_loop3A_185 = arith.constant 96 : index
                %parallel_loop3A_186 = tpu.vector_load %arg12[%parallel_loop3A_184, %parallel_loop3A_185] {strides = array<i32>} : memref<64x128xf32, #tpu.memory_space<vmem>>, vector<16xf32>,
                tpu.vector_store %arg12[%parallel_loop3A_184, %parallel_loop3A_185], %parallel_loop3A_183 {add = true, strides = array<i32>} : memref<64x128xf32, #tpu.memory_space<vmem>>, vector<16xf32>,
                %parallel_loop3A_187 = arith.mulf %parallel_loop3A_134, %parallel_loop3A_158 : vector<16xf32>
                %parallel_loop3A_188 = arith.index_cast %squeeze3A : i32 to index
                %parallel_loop3A_189 = arith.constant 112 : index
                %parallel_loop3A_190 = tpu.vector_load %arg12[%parallel_loop3A_188, %parallel_loop3A_189] {strides = array<i32>} : memref<64x128xf32, #tpu.memory_space<vmem>>, vector<16xf32>,
                tpu.vector_store %arg12[%parallel_loop3A_188, %parallel_loop3A_189], %parallel_loop3A_187 {add = true, strides = array<i32>} : memref<64x128xf32, #tpu.memory_space<vmem>>, vector<16xf32>,
                %parallel_loop3A_191 = arith.addf %parallel_loop3A_109, %parallel_loop3A_158 : vector<16xf32>
                scf.yield %parallel_loop3A_191 : vector<16xf32>
              } {sc.loop_unroll_factor = 1 : i64, sc.parallel_access}
              %swap3A_106 = arith.constant 0 : index
              %swap3A_107 = tpu.vector_load %arg13[%swap3A_106] {strides = array<i32>} : memref<16xf32, #tpu.memory_space<vmem>>, vector<16xf32>,
              tpu.vector_store %arg13[%swap3A_106], %parallel_loop3A_105 {add = true, strides = array<i32>} : memref<16xf32, #tpu.memory_space<vmem>>, vector<16xf32>,
            } else {
              %scan3A_103 = arith.constant 0 : i32
              %scan3A_104 = arith.constant 80 : i32
              %scan3A_105 = arith.addi %scan3A_103, %scan3A_104 : i32
              %scan3A_106 = arith.constant 1 : i32
              %scan3A_107 = scf.for %scan3A_111 = %scan3A_103 to %scan3A_105 step %scan3A_106 iter_args(%scan3A_112 = %broadcast_in_dim3A_16) -> (vector<16xf32>)  : i32 {
                %add3A_113 = arith.addi %mul3A_89, %scan3A_111 : i32
                %get3A_114 = arith.index_cast %add3A_113 : i32 to index
                %get3A_115 = arith.constant 0 : index
                %get3A_116 = tpu.vector_load %arg8[%get3A_114, %get3A_115] {strides = array<i32>} : memref<400x128xf32, #tpu.memory_space<vmem>>, vector<16xf32>,
                %get3A_117 = arith.index_cast %add3A_113 : i32 to index
                %get3A_118 = arith.constant 16 : index
                %get3A_119 = tpu.vector_load %arg8[%get3A_117, %get3A_118] {strides = array<i32>} : memref<400x128xf32, #tpu.memory_space<vmem>>, vector<16xf32>,
                %get3A_120 = arith.index_cast %add3A_113 : i32 to index
                %get3A_121 = arith.constant 32 : index
                %get3A_122 = tpu.vector_load %arg8[%get3A_120, %get3A_121] {strides = array<i32>} : memref<400x128xf32, #tpu.memory_space<vmem>>, vector<16xf32>,
                %get3A_123 = arith.index_cast %add3A_113 : i32 to index
                %get3A_124 = arith.constant 48 : index
                %get3A_125 = tpu.vector_load %arg8[%get3A_123, %get3A_124] {strides = array<i32>} : memref<400x128xf32, #tpu.memory_space<vmem>>, vector<16xf32>,
                %get3A_126 = arith.index_cast %add3A_113 : i32 to index
                %get3A_127 = arith.constant 64 : index
                %get3A_128 = tpu.vector_load %arg8[%get3A_126, %get3A_127] {strides = array<i32>} : memref<400x128xf32, #tpu.memory_space<vmem>>, vector<16xf32>,
                %get3A_129 = arith.index_cast %add3A_113 : i32 to index
                %get3A_130 = arith.constant 80 : index
                %get3A_131 = tpu.vector_load %arg8[%get3A_129, %get3A_130] {strides = array<i32>} : memref<400x128xf32, #tpu.memory_space<vmem>>, vector<16xf32>,
                %get3A_132 = arith.index_cast %add3A_113 : i32 to index
                %get3A_133 = arith.constant 96 : index
                %get3A_134 = tpu.vector_load %arg8[%get3A_132, %get3A_133] {strides = array<i32>} : memref<400x128xf32, #tpu.memory_space<vmem>>, vector<16xf32>,
                %get3A_135 = arith.index_cast %add3A_113 : i32 to index
                %get3A_136 = arith.constant 112 : index
                %get3A_137 = tpu.vector_load %arg8[%get3A_135, %get3A_136] {strides = array<i32>} : memref<400x128xf32, #tpu.memory_space<vmem>>, vector<16xf32>,
                %mul3A_138 = arith.mulf %get3A_116, %get3A_1 : vector<16xf32>
                %mul3A_139 = arith.mulf %get3A_119, %get3A_3 : vector<16xf32>
                %add3A_140 = arith.addf %mul3A_138, %mul3A_139 : vector<16xf32>
                %mul3A_141 = arith.mulf %get3A_122, %get3A_5 : vector<16xf32>
                %add3A_142 = arith.addf %add3A_140, %mul3A_141 : vector<16xf32>
                %mul3A_143 = arith.mulf %get3A_125, %get3A_7 : vector<16xf32>
                %add3A_144 = arith.addf %add3A_142, %mul3A_143 : vector<16xf32>
                %mul3A_145 = arith.mulf %get3A_128, %get3A_9 : vector<16xf32>
                %add3A_146 = arith.addf %add3A_144, %mul3A_145 : vector<16xf32>
                %mul3A_147 = arith.mulf %get3A_131, %get3A_11 : vector<16xf32>
                %add3A_148 = arith.addf %add3A_146, %mul3A_147 : vector<16xf32>
                %mul3A_149 = arith.mulf %get3A_134, %get3A_13 : vector<16xf32>
                %add3A_150 = arith.addf %add3A_148, %mul3A_149 : vector<16xf32>
                %mul3A_151 = arith.mulf %get3A_137, %get3A_15 : vector<16xf32>
                %add3A_152 = arith.addf %add3A_150, %mul3A_151 : vector<16xf32>
                %reduce_sum3A = arith.constant true
                %reduce_sum3A_153 = vector.broadcast %reduce_sum3A : i1 to vector<16xi1>
                %reduce_sum3A_154 = tpu.scan <sum>, %add3A_152 masked %reduce_sum3A_153 : vector<16xf32>, vector<16xi1> -> vector<16xf32>
                %reduce_sum3A_155 = vector.extract %reduce_sum3A_154[15] : f32 from vector<16xf32>
                %broadcast_in_dim3A_156 = vector.broadcast %reduce_sum3A_155 : f32 to vector<16xf32>
                %min3A = arith.constant 6.000000e+01 : f32
                %min3A_157 = vector.broadcast %min3A : f32 to vector<16xf32>
                %min3A_158 = arith.minimumf %broadcast_in_dim3A_156, %min3A_157 : vector<16xf32>
                %exp3A = math.exp %min3A_158 : vector<16xf32>
                %get3A_159 = arith.index_cast %add3A_113 : i32 to index
                %get3A_160 = tpu.vector_load %arg10[%get3A_159] {strides = array<i32>} : memref<416xi32, #tpu.memory_space<vmem>>, vector<16xi32>,
                %slice3A_161 = vector.extract_strided_slice %get3A_160 {offsets = [0], sizes = [1], strides = [1]} : vector<16xi32> to vector<1xi32>
                %squeeze3A_162 = vector.extract %slice3A_161[0] : i32 from vector<1xi32>
                %mul3A_163 = arith.mulf %get3A_116, %exp3A : vector<16xf32>
                %swap3A_164 = arith.index_cast %squeeze3A_162 : i32 to index
                %swap3A_165 = arith.constant 0 : index
                %swap3A_166 = tpu.vector_load %arg12[%swap3A_164, %swap3A_165] {strides = array<i32>} : memref<64x128xf32, #tpu.memory_space<vmem>>, vector<16xf32>,
                tpu.vector_store %arg12[%swap3A_164, %swap3A_165], %mul3A_163 {add = true, strides = array<i32>} : memref<64x128xf32, #tpu.memory_space<vmem>>, vector<16xf32>,
                %mul3A_167 = arith.mulf %get3A_119, %exp3A : vector<16xf32>
                %swap3A_168 = arith.index_cast %squeeze3A_162 : i32 to index
                %swap3A_169 = arith.constant 16 : index
                %swap3A_170 = tpu.vector_load %arg12[%swap3A_168, %swap3A_169] {strides = array<i32>} : memref<64x128xf32, #tpu.memory_space<vmem>>, vector<16xf32>,
                tpu.vector_store %arg12[%swap3A_168, %swap3A_169], %mul3A_167 {add = true, strides = array<i32>} : memref<64x128xf32, #tpu.memory_space<vmem>>, vector<16xf32>,
                %mul3A_171 = arith.mulf %get3A_122, %exp3A : vector<16xf32>
                %swap3A_172 = arith.index_cast %squeeze3A_162 : i32 to index
                %swap3A_173 = arith.constant 32 : index
                %swap3A_174 = tpu.vector_load %arg12[%swap3A_172, %swap3A_173] {strides = array<i32>} : memref<64x128xf32, #tpu.memory_space<vmem>>, vector<16xf32>,
                tpu.vector_store %arg12[%swap3A_172, %swap3A_173], %mul3A_171 {add = true, strides = array<i32>} : memref<64x128xf32, #tpu.memory_space<vmem>>, vector<16xf32>,
                %mul3A_175 = arith.mulf %get3A_125, %exp3A : vector<16xf32>
                %swap3A_176 = arith.index_cast %squeeze3A_162 : i32 to index
                %swap3A_177 = arith.constant 48 : index
                %swap3A_178 = tpu.vector_load %arg12[%swap3A_176, %swap3A_177] {strides = array<i32>} : memref<64x128xf32, #tpu.memory_space<vmem>>, vector<16xf32>,
                tpu.vector_store %arg12[%swap3A_176, %swap3A_177], %mul3A_175 {add = true, strides = array<i32>} : memref<64x128xf32, #tpu.memory_space<vmem>>, vector<16xf32>,
                %mul3A_179 = arith.mulf %get3A_128, %exp3A : vector<16xf32>
                %swap3A_180 = arith.index_cast %squeeze3A_162 : i32 to index
                %swap3A_181 = arith.constant 64 : index
                %swap3A_182 = tpu.vector_load %arg12[%swap3A_180, %swap3A_181] {strides = array<i32>} : memref<64x128xf32, #tpu.memory_space<vmem>>, vector<16xf32>,
                tpu.vector_store %arg12[%swap3A_180, %swap3A_181], %mul3A_179 {add = true, strides = array<i32>} : memref<64x128xf32, #tpu.memory_space<vmem>>, vector<16xf32>,
                %mul3A_183 = arith.mulf %get3A_131, %exp3A : vector<16xf32>
                %swap3A_184 = arith.index_cast %squeeze3A_162 : i32 to index
                %swap3A_185 = arith.constant 80 : index
                %swap3A_186 = tpu.vector_load %arg12[%swap3A_184, %swap3A_185] {strides = array<i32>} : memref<64x128xf32, #tpu.memory_space<vmem>>, vector<16xf32>,
                tpu.vector_store %arg12[%swap3A_184, %swap3A_185], %mul3A_183 {add = true, strides = array<i32>} : memref<64x128xf32, #tpu.memory_space<vmem>>, vector<16xf32>,
                %mul3A_187 = arith.mulf %get3A_134, %exp3A : vector<16xf32>
                %swap3A_188 = arith.index_cast %squeeze3A_162 : i32 to index
                %swap3A_189 = arith.constant 96 : index
                %swap3A_190 = tpu.vector_load %arg12[%swap3A_188, %swap3A_189] {strides = array<i32>} : memref<64x128xf32, #tpu.memory_space<vmem>>, vector<16xf32>,
                tpu.vector_store %arg12[%swap3A_188, %swap3A_189], %mul3A_187 {add = true, strides = array<i32>} : memref<64x128xf32, #tpu.memory_space<vmem>>, vector<16xf32>,
                %mul3A_191 = arith.mulf %get3A_137, %exp3A : vector<16xf32>
                %swap3A_192 = arith.index_cast %squeeze3A_162 : i32 to index
                %swap3A_193 = arith.constant 112 : index
                %swap3A_194 = tpu.vector_load %arg12[%swap3A_192, %swap3A_193] {strides = array<i32>} : memref<64x128xf32, #tpu.memory_space<vmem>>, vector<16xf32>,
                tpu.vector_store %arg12[%swap3A_192, %swap3A_193], %mul3A_191 {add = true, strides = array<i32>} : memref<64x128xf32, #tpu.memory_space<vmem>>, vector<16xf32>,
                %add3A_195 = arith.addf %scan3A_112, %exp3A : vector<16xf32>
                scf.yield %add3A_195 : vector<16xf32>
              }
              %scan3A_108 = arith.constant 80 : i32
              %swap3A_109 = arith.constant 0 : index
              %swap3A_110 = tpu.vector_load %arg13[%swap3A_109] {strides = array<i32>} : memref<16xf32, #tpu.memory_space<vmem>>, vector<16xf32>,
              tpu.vector_store %arg13[%swap3A_109], %scan3A_107 {add = true, strides = array<i32>} : memref<16xf32, #tpu.memory_space<vmem>>, vector<16xf32>,
            }
          }
          %scan3A_86 = arith.constant 5 : i32
        }
      } else {
      }
    }
    %scan3A_39 = arith.constant 3 : i32
    "tpu.region"() ({
      %run_scoped3A = tpu.sem_alloc : memref<!tpu.dma_semaphore, #tpu.memory_space<semaphore_mem>>
      %dma_start3A_40 = arith.constant 0 : i32
      %dma_start3A_41 = arith.constant 0 : i32
      %dma_start3A_42 = tpu.memref_slice %arg5[%add3A, %dma_start3A_40, %dma_start3A_41] : memref<32x64x128xf32, #tpu.memory_space<hbm>> -> memref<1x64x128xf32, #tpu.memory_space<hbm>>
      %dma_start3A_43 = tpu.memref_squeeze %dma_start3A_42 : memref<1x64x128xf32, #tpu.memory_space<hbm>> -> memref<64x128xf32, #tpu.memory_space<hbm>>
      %dma_start3A_44 = arith.constant 0 : i32
      %dma_start3A_45 = arith.constant 0 : i32
      %dma_start3A_46 = tpu.memref_slice %arg5[%add3A, %dma_start3A_44, %dma_start3A_45] : memref<32x64x128xf32, #tpu.memory_space<hbm>> -> memref<1x64x128xf32, #tpu.memory_space<hbm>>
      %dma_start3A_47 = tpu.memref_squeeze %dma_start3A_46 : memref<1x64x128xf32, #tpu.memory_space<hbm>> -> memref<64x128xf32, #tpu.memory_space<hbm>>
      tpu.enqueue_dma source(%arg12 : memref<64x128xf32, #tpu.memory_space<vmem>>) target(%dma_start3A_47 : memref<64x128xf32, #tpu.memory_space<hbm>>) target_semaphore(%run_scoped3A : memref<!tpu.dma_semaphore, #tpu.memory_space<semaphore_mem>>)
      %dma_wait3A = arith.constant 0 : i32
      %dma_wait3A_48 = arith.constant 0 : i32
      %dma_wait3A_49 = tpu.memref_slice %arg5[%add3A, %dma_wait3A, %dma_wait3A_48] : memref<32x64x128xf32, #tpu.memory_space<hbm>> -> memref<1x64x128xf32, #tpu.memory_space<hbm>>
      %dma_wait3A_50 = tpu.memref_squeeze %dma_wait3A_49 : memref<1x64x128xf32, #tpu.memory_space<hbm>> -> memref<64x128xf32, #tpu.memory_space<hbm>>
      %dma_wait3A_51 = arith.constant 0 : i32
      %dma_wait3A_52 = arith.constant 0 : i32
      %dma_wait3A_53 = tpu.memref_slice %arg5[%add3A, %dma_wait3A_51, %dma_wait3A_52] : memref<32x64x128xf32, #tpu.memory_space<hbm>> -> memref<1x64x128xf32, #tpu.memory_space<hbm>>
      %dma_wait3A_54 = tpu.memref_squeeze %dma_wait3A_53 : memref<1x64x128xf32, #tpu.memory_space<hbm>> -> memref<64x128xf32, #tpu.memory_space<hbm>>
      tpu.wait_dma2 semaphore(%run_scoped3A : memref<!tpu.dma_semaphore, #tpu.memory_space<semaphore_mem>>) src(%arg12 : memref<64x128xf32, #tpu.memory_space<vmem>>) dst(%dma_wait3A_54 : memref<64x128xf32, #tpu.memory_space<hbm>>)
      tpu.yield
    }) : () -> ()
    "tpu.region"() ({
      %run_scoped3A = tpu.sem_alloc : memref<!tpu.dma_semaphore, #tpu.memory_space<semaphore_mem>>
      %dma_start3A_40 = arith.constant 0 : i32
      %dma_start3A_41 = tpu.memref_slice %arg6[%add3A, %dma_start3A_40] : memref<32x16xf32, #tpu.memory_space<hbm>> -> memref<1x16xf32, #tpu.memory_space<hbm>>
      %dma_start3A_42 = tpu.memref_squeeze %dma_start3A_41 : memref<1x16xf32, #tpu.memory_space<hbm>> -> memref<16xf32, #tpu.memory_space<hbm>>
      %dma_start3A_43 = arith.constant 0 : i32
      %dma_start3A_44 = tpu.memref_slice %arg6[%add3A, %dma_start3A_43] : memref<32x16xf32, #tpu.memory_space<hbm>> -> memref<1x16xf32, #tpu.memory_space<hbm>>
      %dma_start3A_45 = tpu.memref_squeeze %dma_start3A_44 : memref<1x16xf32, #tpu.memory_space<hbm>> -> memref<16xf32, #tpu.memory_space<hbm>>
      tpu.enqueue_dma source(%arg13 : memref<16xf32, #tpu.memory_space<vmem>>) target(%dma_start3A_45 : memref<16xf32, #tpu.memory_space<hbm>>) target_semaphore(%run_scoped3A : memref<!tpu.dma_semaphore, #tpu.memory_space<semaphore_mem>>)
      %dma_wait3A = arith.constant 0 : i32
      %dma_wait3A_46 = tpu.memref_slice %arg6[%add3A, %dma_wait3A] : memref<32x16xf32, #tpu.memory_space<hbm>> -> memref<1x16xf32, #tpu.memory_space<hbm>>
      %dma_wait3A_47 = tpu.memref_squeeze %dma_wait3A_46 : memref<1x16xf32, #tpu.memory_space<hbm>> -> memref<16xf32, #tpu.memory_space<hbm>>
      %dma_wait3A_48 = arith.constant 0 : i32
      %dma_wait3A_49 = tpu.memref_slice %arg6[%add3A, %dma_wait3A_48] : memref<32x16xf32, #tpu.memory_space<hbm>> -> memref<1x16xf32, #tpu.memory_space<hbm>>
      %dma_wait3A_50 = tpu.memref_squeeze %dma_wait3A_49 : memref<1x16xf32, #tpu.memory_space<hbm>> -> memref<16xf32, #tpu.memory_space<hbm>>
      tpu.wait_dma2 semaphore(%run_scoped3A : memref<!tpu.dma_semaphore, #tpu.memory_space<semaphore_mem>>) src(%arg13 : memref<16xf32, #tpu.memory_space<vmem>>) dst(%dma_wait3A_50 : memref<16xf32, #tpu.memory_space<hbm>>)
      tpu.yield
    }) : () -> ()
    return
  }
}

module attributes {stable_mosaic.version = 14 : i64} {
  func.func @body(%arg0: i32, %arg1: memref<4000x128xf32, #tpu.memory_space<vmem>>, %arg2: memref<1x1x4000xi32, #tpu.memory_space<vmem>>, %arg3: memref<1x128xf32, #tpu.memory_space<vmem>>, %arg4: memref<64x128xf32, #tpu.memory_space<vmem>>, %arg5: memref<8x128xf32, #tpu.memory_space<vmem>>) attributes {dimension_semantics = [#tpu.dimension_semantics<arbitrary>], iteration_bounds = array<i64: 16>, scalar_prefetch = 0 : i64, scratch_operands = 0 : i64, tpu.core_type = #tpu.core_type<tc>, window_params = [{transform_indices = @transform_0, window_bounds = array<i64: 4000, 128>}, {transform_indices = @transform_1, window_bounds = array<i64: 1, 1, 4000>}, {pipeline_mode = #tpu.pipeline_mode<synchronous>, transform_indices = @transform_2, window_bounds = array<i64: 1, 128>}, {pipeline_mode = #tpu.pipeline_mode<synchronous>, transform_indices = @transform_3, window_bounds = array<i64: 64, 128>}, {pipeline_mode = #tpu.pipeline_mode<synchronous>, transform_indices = @transform_4, window_bounds = array<i64: 8, 128>}]} {
    %get3A = arith.constant 0 : index
    %get3A_0 = arith.constant 0 : index
    %get3A_1 = vector.load %arg1[%get3A, %get3A_0] : memref<4000x128xf32, #tpu.memory_space<vmem>>, vector<4000x128xf32>
    %get3A_2 = arith.constant 0 : index
    %get3A_3 = arith.constant 0 : index
    %get3A_4 = vector.load %arg3[%get3A_2, %get3A_3] : memref<1x128xf32, #tpu.memory_space<vmem>>, vector<1x128xf32>
    %mul3A = vector.broadcast %get3A_4 : vector<1x128xf32> to vector<4000x128xf32>
    %mul3A_5 = arith.mulf %get3A_1, %mul3A : vector<4000x128xf32>
    %reduce_sum3A = arith.constant dense<0.000000e+00> : vector<4000xf32>
    %reduce_sum3A_6 = vector.multi_reduction <add>, %mul3A_5, %reduce_sum3A [1] : vector<4000x128xf32> to vector<4000xf32>
    %broadcast_in_dim3A = vector.shape_cast %reduce_sum3A_6 : vector<4000xf32> to vector<4000x1xf32>
    %min3A = arith.constant 6.000000e+01 : f32
    %min3A_7 = vector.broadcast %min3A : f32 to vector<4000x1xf32>
    %min3A_8 = arith.minimumf %broadcast_in_dim3A, %min3A_7 : vector<4000x1xf32>
    %exp3A = math.exp %min3A_8 : vector<4000x1xf32>
    %mul3A_9 = vector.broadcast %exp3A : vector<4000x1xf32> to vector<4000x128xf32>
    %mul3A_10 = arith.mulf %get3A_1, %mul3A_9 : vector<4000x128xf32>
    %iota3A = tpu.iota {dimensions = array<i32: 0>} : vector<64x4000xi32>
    %get3A_11 = arith.constant 0 : index
    %get3A_12 = arith.constant 0 : index
    %get3A_13 = arith.constant 0 : index
    %get3A_14 = vector.load %arg2[%get3A_11, %get3A_12, %get3A_13] : memref<1x1x4000xi32, #tpu.memory_space<vmem>>, vector<1x1x4000xi32>
    %get3A_15 = vector.shape_cast %get3A_14 : vector<1x1x4000xi32> to vector<4000xi32>
    %broadcast_in_dim3A_16 = vector.shape_cast %get3A_15 : vector<4000xi32> to vector<1x4000xi32>
    %eq3A = vector.broadcast %broadcast_in_dim3A_16 : vector<1x4000xi32> to vector<64x4000xi32>
    %eq3A_17 = arith.cmpi eq, %eq3A, %iota3A : vector<64x4000xi32>
    %convert_element_type3A = arith.extui %eq3A_17 : vector<64x4000xi1> to vector<64x4000xi32>
    %convert_element_type3A_18 = arith.sitofp %convert_element_type3A : vector<64x4000xi32> to vector<64x4000xf32>
    %dot_general3A = arith.constant dense<0.000000e+00> : vector<64x128xf32>
    %dot_general3A_19 = tpu.matmul %convert_element_type3A_18, %mul3A_10, %dot_general3A {dimension_numbers = #tpu.dot_dimension_numbers<[1], [0], [0], [1], [0, 0, 1, 1], [], []>, transpose_lhs_hint = false} : vector<64x4000xf32>, vector<4000x128xf32>, vector<64x128xf32> -> vector<64x128xf32>
    %reduce_sum3A_20 = vector.shape_cast %exp3A : vector<4000x1xf32> to vector<1x4000x1xf32>
    %reduce_sum3A_21 = arith.constant dense<0.000000e+00> : vector<1xf32>
    %reduce_sum3A_22 = vector.multi_reduction <add>, %reduce_sum3A_20, %reduce_sum3A_21 [1, 2] : vector<1x4000x1xf32> to vector<1xf32>
    %reduce_sum3A_23 = vector.shape_cast %reduce_sum3A_22 : vector<1xf32> to vector<1x1x1xf32>
    %reduce_sum3A_24 = vector.extract %reduce_sum3A_23[0, 0, 0] : f32 from vector<1x1x1xf32>
    %broadcast_in_dim3A_25 = vector.broadcast %reduce_sum3A_24 : f32 to vector<8x128xf32>
    %eq3A_26 = arith.constant 0 : i32
    %eq3A_27 = arith.cmpi eq, %arg0, %eq3A_26 : i32
    %convert_element_type3A_28 = arith.extui %eq3A_27 : i1 to i32
    %cond3A = arith.constant 0 : i32
    %cond3A_29 = arith.cmpi ne, %convert_element_type3A_28, %cond3A : i32
    scf.if %cond3A_29 {
      %swap3A = arith.constant 0 : index
      %swap3A_34 = arith.constant 0 : index
      %swap3A_35 = vector.load %arg4[%swap3A, %swap3A_34] : memref<64x128xf32, #tpu.memory_space<vmem>>, vector<64x128xf32>
      tpu.vector_store %arg4[%swap3A, %swap3A_34], %dot_general3A_19 {strides = array<i32>} : memref<64x128xf32, #tpu.memory_space<vmem>>, vector<64x128xf32>,
      %swap3A_36 = arith.constant 0 : index
      %swap3A_37 = arith.constant 0 : index
      %swap3A_38 = vector.load %arg5[%swap3A_36, %swap3A_37] : memref<8x128xf32, #tpu.memory_space<vmem>>, vector<8x128xf32>
      tpu.vector_store %arg5[%swap3A_36, %swap3A_37], %broadcast_in_dim3A_25 {strides = array<i32>} : memref<8x128xf32, #tpu.memory_space<vmem>>, vector<8x128xf32>,
    } else {
    }
    %gt3A = arith.constant 0 : i32
    %gt3A_30 = arith.cmpi sgt, %arg0, %gt3A : i32
    %convert_element_type3A_31 = arith.extui %gt3A_30 : i1 to i32
    %cond3A_32 = arith.constant 0 : i32
    %cond3A_33 = arith.cmpi ne, %convert_element_type3A_31, %cond3A_32 : i32
    scf.if %cond3A_33 {
      %get3A_34 = arith.constant 0 : index
      %get3A_35 = arith.constant 0 : index
      %get3A_36 = vector.load %arg4[%get3A_34, %get3A_35] : memref<64x128xf32, #tpu.memory_space<vmem>>, vector<64x128xf32>
      %add3A = arith.addf %get3A_36, %dot_general3A_19 : vector<64x128xf32>
      %swap3A = arith.constant 0 : index
      %swap3A_37 = arith.constant 0 : index
      %swap3A_38 = vector.load %arg4[%swap3A, %swap3A_37] : memref<64x128xf32, #tpu.memory_space<vmem>>, vector<64x128xf32>
      tpu.vector_store %arg4[%swap3A, %swap3A_37], %add3A {strides = array<i32>} : memref<64x128xf32, #tpu.memory_space<vmem>>, vector<64x128xf32>,
      %get3A_39 = arith.constant 0 : index
      %get3A_40 = arith.constant 0 : index
      %get3A_41 = vector.load %arg5[%get3A_39, %get3A_40] : memref<8x128xf32, #tpu.memory_space<vmem>>, vector<8x128xf32>
      %add3A_42 = arith.addf %get3A_41, %broadcast_in_dim3A_25 : vector<8x128xf32>
      %swap3A_43 = arith.constant 0 : index
      %swap3A_44 = arith.constant 0 : index
      %swap3A_45 = vector.load %arg5[%swap3A_43, %swap3A_44] : memref<8x128xf32, #tpu.memory_space<vmem>>, vector<8x128xf32>
      tpu.vector_store %arg5[%swap3A_43, %swap3A_44], %add3A_42 {strides = array<i32>} : memref<8x128xf32, #tpu.memory_space<vmem>>, vector<8x128xf32>,
    } else {
    }
    return
  }
  func.func @transform_0(%arg0: i32) -> (i32, i32) {
    %add3A = arith.constant 9 : i32
    %add3A_0 = arith.addi %arg0, %add3A : i32
    %c0_i32 = arith.constant 0 : i32
    %c0_i32_1 = arith.constant 0 : i32
    return %add3A_0, %c0_i32 : i32, i32
  }
  func.func @transform_1(%arg0: i32) -> (i32, i32, i32) {
    %add3A = arith.constant 9 : i32
    %add3A_0 = arith.addi %arg0, %add3A : i32
    %c0_i32 = arith.constant 0 : i32
    %c0_i32_1 = arith.constant 0 : i32
    %c0_i32_2 = arith.constant 0 : i32
    return %add3A_0, %c0_i32, %c0_i32_1 : i32, i32, i32
  }
  func.func @transform_2(%arg0: i32) -> (i32, i32) {
    %c0_i32 = arith.constant 0 : i32
    %c0_i32_0 = arith.constant 0 : i32
    %c0_i32_1 = arith.constant 0 : i32
    return %c0_i32, %c0_i32_0 : i32, i32
  }
  func.func @transform_3(%arg0: i32) -> (i32, i32) {
    %c0_i32 = arith.constant 0 : i32
    %c0_i32_0 = arith.constant 0 : i32
    %c0_i32_1 = arith.constant 0 : i32
    return %c0_i32, %c0_i32_0 : i32, i32
  }
  func.func @transform_4(%arg0: i32) -> (i32, i32) {
    %c0_i32 = arith.constant 0 : i32
    %c0_i32_0 = arith.constant 0 : i32
    %c0_i32_1 = arith.constant 0 : i32
    return %c0_i32, %c0_i32_0 : i32, i32
  }
}

module attributes {stable_mosaic.version = 14 : i64} {
  func.func @body(%arg0: memref<32x64x128xf32, #tpu.memory_space<vmem>>, %arg1: memref<32x16xf32, #tpu.memory_space<vmem>>, %arg2: memref<64x128xf32, #tpu.memory_space<vmem>>, %arg3: memref<8x128xf32, #tpu.memory_space<vmem>>, %arg4: memref<64x128xf32, #tpu.memory_space<vmem>>) attributes {dimension_semantics = [], scalar_prefetch = 0 : i64, scratch_operands = 0 : i64, tpu.core_type = #tpu.core_type<tc>} {
    %get3A = arith.constant 0 : index
    %get3A_0 = arith.constant 0 : index
    %get3A_1 = vector.load %arg1[%get3A, %get3A_0] : memref<32x16xf32, #tpu.memory_space<vmem>>, vector<32x1xf32>
    %reduce_sum3A = vector.shape_cast %get3A_1 : vector<32x1xf32> to vector<1x32x1xf32>
    %reduce_sum3A_2 = arith.constant dense<0.000000e+00> : vector<1xf32>
    %reduce_sum3A_3 = vector.multi_reduction <add>, %reduce_sum3A, %reduce_sum3A_2 [1, 2] : vector<1x32x1xf32> to vector<1xf32>
    %reduce_sum3A_4 = vector.shape_cast %reduce_sum3A_3 : vector<1xf32> to vector<1x1x1xf32>
    %reduce_sum3A_5 = vector.extract %reduce_sum3A_4[0, 0, 0] : f32 from vector<1x1x1xf32>
    %get3A_6 = arith.constant 0 : index
    %get3A_7 = arith.constant 0 : index
    %get3A_8 = vector.load %arg3[%get3A_6, %get3A_7] : memref<8x128xf32, #tpu.memory_space<vmem>>, vector<1x1xf32>
    %get3A_9 = vector.extract %get3A_8[0, 0] : f32 from vector<1x1xf32>
    %add3A = arith.addf %reduce_sum3A_5, %get3A_9 : f32
    %get3A_10 = arith.constant 0 : index
    %get3A_11 = arith.constant 0 : index
    %get3A_12 = arith.constant 0 : index
    %get3A_13 = vector.load %arg0[%get3A_10, %get3A_11, %get3A_12] : memref<32x64x128xf32, #tpu.memory_space<vmem>>, vector<32x64x128xf32>
    %reduce_sum3A_14 = arith.constant dense<0.000000e+00> : vector<64x128xf32>
    %reduce_sum3A_15 = vector.multi_reduction <add>, %get3A_13, %reduce_sum3A_14 [0] : vector<32x64x128xf32> to vector<64x128xf32>
    %get3A_16 = arith.constant 0 : index
    %get3A_17 = arith.constant 0 : index
    %get3A_18 = vector.load %arg2[%get3A_16, %get3A_17] : memref<64x128xf32, #tpu.memory_space<vmem>>, vector<64x128xf32>
    %add3A_19 = arith.addf %reduce_sum3A_15, %get3A_18 : vector<64x128xf32>
    %div3A = arith.constant 1.000000e+00 : f32
    %div3A_20 = arith.divf %div3A, %add3A : f32
    %mul3A = vector.broadcast %div3A_20 : f32 to vector<64x128xf32>
    %mul3A_21 = arith.mulf %add3A_19, %mul3A : vector<64x128xf32>
    %swap3A = arith.constant 0 : index
    %swap3A_22 = arith.constant 0 : index
    %swap3A_23 = vector.load %arg4[%swap3A, %swap3A_22] : memref<64x128xf32, #tpu.memory_space<vmem>>, vector<64x128xf32>
    tpu.vector_store %arg4[%swap3A, %swap3A_22], %mul3A_21 {strides = array<i32>} : memref<64x128xf32, #tpu.memory_space<vmem>>, vector<64x128xf32>,
    return
  }
}

</mosaic_0001>

<sc_bundles>
// kernel: kernel.5.cloned.1.call-start
scs
__scs_entry_jumppad:
0x0: {  	(pc) =	sbr.rel $0x88, $3  }
0x1: {  	(tag) =	ssettag $0x0;
	lr =	simm.s32 $0x1  }
0x2: {  	[smem:$0x3F9E] =	sst lr;
	_ =	strace $0xD0000000  }
0x3: {  	_ = 	snop  }
0x4: {  	_ = 	snop  }
0x5: {  	_ = 	snop  }
0x6: {  	_ = 	snop  }
0x7: {  	_ = 	snop  }
__scs_overlays_trampoline_lowered:
0x8: {  	[smem:$0x3FAD] =	sst s0  }
0x9: {  	[smem:$0x3FAE] =	sst s1  }
0xa: {  	[smem:$0x3FAF] =	sst s2  }
0xb: {  	[smem:$0x3FB0] =	sst s3  }
0xc: {  	[smem:$0x3FB1] =	sst s4  }
0xd: {  	[smem:$0x3FB2] =	sst s5  }
0xe: {  	[smem:$0x3FB3] =	sst s6  }
0xf: {  	[smem:$0x3FB4] =	sst s7  }
0x10: {  	[smem:$0x3FB5] =	sst s8  }
0x11: {  	[smem:$0x3FB6] =	sst s9;
	s0 =	simm.s32 @!p0 $0x0  }
0x12: {  	s1 =	sld [smem:$0x3F9C];
	s0 =	simm.s32 @p0 $0x1  }
0x13: {  	[smem:$0x3FB7] =	sst s0;
	s0 =	simm.s32 @!p1 $0x0  }
0x14: {  	s2 =	sld [smem:$0x3F9B];
	s0 =	simm.s32 @p1 $0x1  }
0x15: {  	[smem:$0x3FB8] =	sst s0;
	s0 =	simm.s32 @!p2 $0x0  }
0x16: {  	s3 =	sld [smem:$0x3FDB];
	s0 =	simm.s32 @p2 $0x1  }
0x17: {  	s4 =	simm.s32 $0x1BF5;
	[smem:$0x3FBA] =	sst s0  }
0x18: {  	s0 =	sld [smem:$0x3F9D];
	_ =	swait.ge [sflag:s4], $0x0  }
0x19: {  	s7 =	sld [smem:$0x3F9E]  }
0x1a: {  	s8 =	sadd.s32 $0xFFFFE003, lr  }
0x1b: {  	s9 =	sadd.s32 $0xFFFFFEF7, lr;
	s5 =	simm.s32 $0xFFFFFFFF;
	p2 =	slt.u32 s8, $0xFFFFF086  }
0x1c: {  	p1 =	slt.u32 s9, $0xF7A;
	s5 =	simm.s32 @!p2 $0x0  }
0x1d: {  	s5 =	simm.s32 @p1 $0x1;
	p0 =	seq.s32 s7, s2  }
0x1e: {  	s7 =	smul.u32 @!p0 $0xF7A, s2;
	p2 =	seq.s32 @!p0 s5, $0x0  }
0x1f: {  	s9 =	smul.u32 $0xF7A, s1;
	s8 =	simm.s32 @!p0 $0x1BF5;
	p2 =	por !p2, p0  }
0x20: {  	[sflag:s8] =	ssyncset.s32 @!p0 $0xFFFFF086;
	s6 =	sadd.s32 @!p0 s3, s7;
	s7 =	simm.s32 @!p0 $0x108  }
0x21: {  	s3 =	sadd.s32 s3, s9;
	s6 =	sadd.s32 @!p0 $0x88, s6;
	s7 =	simm.s32 @p2 $0x1082  }
0x22: {  	[simem:s7], [sflag:s8] =	dma.local @!p0 [hbm:s6], $0xF7A  }
0x23: {  	s9 =	sor.u32 $0xD0000000, s2;
	s6 =	simm.s32 $0x108;
	_ =	swait.ge @!p0 [sflag:s8], $0x0  }
0x24: {  	s3 =	sadd.s32 $0x88, s3;
	s6 =	simm.s32 @!p1 $0x1082;
	[sflag:s4] =	ssyncset.s32 $0xFFFFF086  }
0x25: {  	[simem:s6], [sflag:s4] =	dma.local [hbm:s3], $0xF7A  }
0x26: {  	[smem:$0x3F9E] =	sst s1;
	(tag) =	ssettag s2;
	_ =	strace s9  }
0x27: {  	s1 =	sld [smem:$0x3FAE]  }
0x28: {  	s2 =	sld [smem:$0x3FAF]  }
0x29: {  	s4 =	sld [smem:$0x3FB1]  }
0x2a: {  	p0 =	seq.s32 s5, $0x0;
	s5 =	sld [smem:$0x3FB2]  }
0x2b: {  	s6 =	sld [smem:$0x3FB3]  }
0x2c: {  	s7 =	sld [smem:$0x3FB4]  }
0x2d: {  	s3 =	simm.s32 $0x108;
	s8 =	sld [smem:$0x3FB5]  }
0x2e: {  	s3 =	simm.s32 @!p0 $0x1082;
	s9 =	sld [smem:$0x3FB6]  }
0x2f: {  	lr =	sadd.s32 s0, s3;
	s0 =	sld [smem:$0x3FAD]  }
0x30: {  	s3 =	sld [smem:$0x3FB0]  }
0x31: {  	[smem:$0x3FB9] =	sst s10  }
0x32: {  	s10 =	sld [smem:$0x3FB7];
	_ =	sdelay $0x3  }
0x33: {  	p0 =	seq.s32 s10, $0x1;
	s10 =	sld [smem:$0x3FB9];
	_ =	sdelay $0x3  }
0x34: {  	[smem:$0x3FB9] =	sst s10  }
0x35: {  	s10 =	sld [smem:$0x3FB8];
	_ =	sdelay $0x3  }
0x36: {  	p1 =	seq.s32 s10, $0x1;
	s10 =	sld [smem:$0x3FB9];
	_ =	sdelay $0x3  }
0x37: {  	[smem:$0x3FB9] =	sst s10  }
0x38: {  	s10 =	sld [smem:$0x3FBA]  }
0x39: {  	_ = 	snop;
	(pc) =	sbr.ind lr, $3  }
0x3a: {  	_ = 	snop  }
0x3b: {  	_ = 	snop  }
0x3c: {  	p2 =	seq.s32 s10, $0x1;
	s10 =	sld [smem:$0x3FB9]  }
0x3d: {  	_ =	shalt  }
0x3e: {  	_ =	shalt  }
0x3f: {  	_ =	shalt  }
0x40: {  	_ =	shalt  }
0x41: {  	_ =	shalt  }
0x42: {  	_ =	shalt  }
0x43: {  	_ =	shalt  }
0x44: {  	_ =	shalt  }
0x45: {  	_ =	shalt  }
0x46: {  	_ =	shalt  }
0x47: {  	_ =	shalt  }
0x48: {  	_ =	shalt  }
0x49: {  	_ =	shalt  }
0x4a: {  	_ =	shalt  }
0x4b: {  	_ =	shalt  }
0x4c: {  	_ =	shalt  }
0x4d: {  	_ =	shalt  }
0x4e: {  	_ =	shalt  }
0x4f: {  	_ =	shalt  }
0x50: {  	_ =	shalt  }
0x51: {  	_ =	shalt  }
0x52: {  	_ =	shalt  }
0x53: {  	_ =	shalt  }
0x54: {  	_ =	shalt  }
0x55: {  	_ =	shalt  }
0x56: {  	_ =	shalt  }
0x57: {  	_ =	shalt  }
0x58: {  	_ =	shalt  }
0x59: {  	_ =	shalt  }
0x5a: {  	_ =	shalt  }
0x5b: {  	_ =	shalt  }
0x5c: {  	_ =	shalt  }
0x5d: {  	_ =	shalt  }
0x5e: {  	_ =	shalt  }
0x5f: {  	_ =	shalt  }
0x60: {  	_ =	shalt  }
0x61: {  	_ =	shalt  }
0x62: {  	_ =	shalt  }
0x63: {  	_ =	shalt  }
0x64: {  	_ =	shalt  }
0x65: {  	_ =	shalt  }
0x66: {  	_ =	shalt  }
0x67: {  	_ =	shalt  }
0x68: {  	_ =	shalt  }
0x69: {  	_ =	shalt  }
0x6a: {  	_ =	shalt  }
0x6b: {  	_ =	shalt  }
0x6c: {  	_ =	shalt  }
0x6d: {  	_ =	shalt  }
0x6e: {  	_ =	shalt  }
0x6f: {  	_ =	shalt  }
0x70: {  	_ =	shalt  }
0x71: {  	_ =	shalt  }
0x72: {  	_ =	shalt  }
0x73: {  	_ =	shalt  }
0x74: {  	_ =	shalt  }
0x75: {  	_ =	shalt  }
0x76: {  	_ =	shalt  }
0x77: {  	_ =	shalt  }
0x78: {  	_ =	shalt  }
0x79: {  	_ =	shalt  }
0x7a: {  	_ =	shalt  }
0x7b: {  	_ =	shalt  }
0x7c: {  	_ =	shalt  }
0x7d: {  	_ =	shalt  }
0x7e: {  	_ =	shalt  }
0x7f: {  	_ =	shalt  }
0x80: {  	_ =	shalt  }
0x81: {  	_ =	shalt  }
0x82: {  	_ =	shalt  }
0x83: {  	_ =	shalt  }
0x84: {  	_ =	shalt  }
0x85: {  	_ =	shalt  }
0x86: {  	_ =	shalt  }
0x87: {  	_ =	shalt  }
.Lfunc_end0:
.L_simem_size_0:
called_computation_lowered:
.L_overlay_start_0:
0x88: {  	s2 =	sld [smem:$0x3FD9]  }
0x89: {  	s3 =	sld [smem:$0x3FFE];
	_ =	sdelay $0x1  }
0x8a: {  	s1 =	srdreg.scid  }
0x8b: {  	s0 =	sand.u32 $0x1, s1  }
0x8c: {  	s17 =	sshll.u32 s0, $0xA;
	s2 =	sadd.s32 s3, s2  }
0x8d: {  	s2 =	sadd.s32 s2, s17  }
0x8e: {  	[smem:$0x3FC5] =	sst s2  }
0x8f: {  	_ = 	snop  }
0x90: {  	s2 =	sld [smem:$0x3FC9]  }
0x91: {  	s18 =	sld [smem:$0x3FC8]  }
0x92: {  	s4 =	sld [smem:$0x3FC7]  }
0x93: {  	s5 =	sld [smem:$0x3FD0];
	(tm) =	ssettm $0x1  }
0x94: {  	s6 =	sld [smem:$0x3FFB];
	_ =	sdelay $0x3  }
0x95: {  	_ =	strace s6  }
0x96: {  	s6 =	sld [smem:$0x3FFC];
	_ =	sdelay $0x3  }
0x97: {  	_ =	strace s6  }
0x98: {  	s6 =	sld [smem:$0x3FFD];
	_ =	sdelay $0x3  }
0x99: {  	_ =	strace s6  }
0x9a: {  	_ =	strace $0x8FFFFFFF  }
0x9b: {  	s19 =	sld [smem:$0x3FDB];
	_ =	sdelay $0x1  }
0x9c: {  	s7 =	simm.s32 $_scs_section_size  }
0x9d: {  	s8 =	simm.s32 $_size__tile_overlayer_lowered;
	s9 =	simm.s32 $_tile_overlayer_lowered  }
0x9e: {  	s22 =	simm.s32 $0x1BFF;
	s21 =	sshll.u32 s9, $0x1;
	s6 =	sadd.s32 s7, s19  }
0x9f: {  	s10 =	simm.s32 $0x0;
	s20 =	sshll.u32 s8, $0x1;
	s8 =	sadd.s32 s21, s6  }
0xa0: {  	[timem:s10], [sflag:s22] =	dma.local [hbm:s8], s20  }
0xa1: {  	_ =	swait.ge [sflag:s22], s20  }
0xa2: {  	s7 =	ssub.s32 $0x0, s20;
	[sflag:s22] =	ssyncset.done $0x0  }
0xa3: {  	[sflag:s22] =	ssyncadd.s32 s7;
	_ =	sdelay $0x1  }
0xa4: {  	s23 =	simm.s32 $0x1B8B  }
0xa5: {  	_ =	swait.ge [sflag:s23], $0x1  }
0xa6: {  	[sflag:s23] =	ssyncset.done $0x0  }
0xa7: {  	s25 =	simm.s32 $0x1B8E;
	s24 =	sld [smem:$0x3FFE];
	[sflag:s23] =	ssyncadd.s32 $0xFFFFFFFF  }
0xa8: {  	s26 =	simm.s32 $execute0_lowered;
	[smem:$0x3FD2] =	sst s25  }
0xa9: {  	s8 =	sshll.u32 s26, $0x1;
	_ =	strace $0x80000046;
	[dreg:$0x1] =	wrdreg $0xFFFFFFFF  }
0xaa: {  	s28 =	simm.s32 $_size_execute0_lowered;
	s6 =	sadd.s32 s6, s8;
	[dreg:$0x0] =	wrdreg $0x0  }
0xab: {  	s8 =	sshll.u32 s28, $0x1;
	[dreg:$0x2] =	wrdreg s6  }
0xac: {  	[dreg:$0x3] =	wrdreg s8  }
0xad: {  	[dreg:$0x4] =	wrdreg $0xC0  }
0xae: {  	_ =	task [dreg:s10], $0x5FFFF  }
0xaf: {  	[dreg:$0x1] =	wrdreg $0xFFFFFFFF  }
0xb0: {  	[dreg:$0x0] =	wrdreg $0x60  }
0xb1: {  	[dreg:$0x2] =	wrdreg s2  }
0xb2: {  	[dreg:$0x3] =	wrdreg s18  }
0xb3: {  	[dreg:$0x4] =	wrdreg s4  }
0xb4: {  	[dreg:$0x5] =	wrdreg s24  }
0xb5: {  	[dreg:$0x6] =	wrdreg s5  }
0xb6: {  	[dreg:$0x7] =	wrdreg $0x9  }
0xb7: {  	_ =	task.clear_ibuf [dreg:s10], $0x8FFFF;
	_ =	strace $0x90000046  }
0xb8: {  	s29 =	simm.s32 $0x9;
	_ =	strace $0x80000048  }
0xb9: {  	_ =	swait.ge [sflag:s29], $0x1  }
0xba: {  	[sflag:s29] =	ssyncadd.s32 $0xFFFFFFFF  }
0xbb: {  	_ =	strace $0x90000048  }
0xbc: {  	_ =	sfence  }
0xbd: {  	s30 =	sld [smem:$0x0];
	_ =	sdelay $0x2  }
0xbe: {  	s31 =	sshll.u32 s1, $0xD;
	s1 =	sshrl.u32 s1, $0x2  }
0xbf: {  	s3 =	sand.u32 $0x4000, s31;
	s1 =	sadd.s32 s1, s30  }
0xc0: {  	s0 =	sor.u32 s3, s0;
	s1 =	sshll.u32 s1, $0x11  }
0xc1: {  	s0 =	sor.u32 s1, s0  }
0xc2: {  	s0 =	sadd.s32 $0x8F2B, s0  }
0xc3: {  	[sflag:s0] =	ssyncadd.remote.s32 $0x1  }
0xc4: {  	_ =	sfence.sel $0xFFFF  }
0xc5: {  	[dreg:$0x0] =	wrdreg $0xFFFFFFFF;
	(pc) =	sbr.abs _section_cstart, $3  }
0xc6: {  	[dreg:$0x1] =	wrdreg $0xFFFFFFFF  }
0xc7: {  	_ =	task.clear_ibuf [dreg:s10], $0x2FFFF;
	_ =	strace $0x9FFFFFFF  }
0xc8: {  	(tm) =	ssettm $0x7FFFFFFF  }
0xc9: {  	_ =	shalt  }
tec
execute0_lowered:
.L_overlay_start_1:
0x0: {  	(tag) =	ssettag $0x1  }
0x1: {  	s1 =	rddreg [dreg:$0x0]  }
0x2: {  	s2 =	rddreg [dreg:$0x1]  }
0x3: {  	s3 =	rddreg [dreg:$0x2]  }
0x4: {  	s7 =	rddreg [dreg:$0x3]  }
0x5: {  	s10 =	rddreg [dreg:$0x4]  }
0x6: {  	s0 =	rddreg [dreg:$0x5]  }
0x7: {  	s5 =	simm.s32 $0x0;
	s6 =	srdreg.scid;
	s4 =	stileid.u32  }
0x8: {  	s14 =	simm.s32 $0x19000;
	s15 =	simm.s32 $0x1;
	s16 =	simm.s32 $0x1B480  }
0x9: {  	s17 =	simm.s32 $0x2;
	s8 =	sand.u32 $0x1, s6;
	s29 =	sshll.u32 s4, $0x1  }
0xa: {  	s18 =	simm.s32 $0x19480;
	[smem:$0x7FF] =	sst s5;
	s6 =	sor.u32 s8, s29  }
0xb: {  	s19 =	simm.s32 $0x0;
	_ =	strace $0x80000047;
	s11 =	smul.u32 $0x1900, s6  }
.Ltmp0:
0xc: {  	s8 =	ssub.s32 $0x2, s8;
	s9 =	sshll.u32 s6, $0xA;
	(pc) =	sbr.rel .LBB2_1-.Ltmp0, $4  }
0xd: {  	s30 =	sshrl.u32 s8, $0x1;
	s12 =	smul.u32 $0x32, s6;
	s31 =	sshll.u32 s6, $0x4  }
0xe: {  	s9 =	sadd.s32 s9, s7;
	s13 =	ssub.s32 s8, s30;
	s10 =	sadd.s32 s10, s31  }
0xf: {  	s7 =	sadd.s32 s1, s11;
	s8 =	sadd.s32 s2, s12;
	s9 =	sadd.s32 $0x1200, s9  }
0x10: {  	v0 =	vimm.f32 $0.0e+00;
	s11 =	smax.u32 s13, $0x1;
	s12 =	simm.s32 $0x19400;
	s13 =	simm.s32 $0x3  }
.LBB2_25:
0x11: {  	[hbm4b:s9+s5] =	stream.linear.scatter [tilespmem:s18], [sflag:$0x3], $0x2000, $0x38;
	[tilespmem:$0x1B500] =	vst v63  }
0x12: {  	s19 =	sadd.s32 $0x1, s19;
	_ =	swait.ge [sflag:s13], $0x2000  }
0x13: {  	p0 =	sne.s32 s19, s11;
	[sflag:s13] =	ssyncset.done $0x0  }
.Ltmp1:
0x14: {  	[sflag:s13] =	ssyncadd.s32 $0xFFFFE000;
	(pc) =	sbr.rel @!p0 .LBB2_26-.Ltmp1, $4  }
0x15: {  	[hbm4b:s10+s5] =	stream.linear.scatter [tilespmem:s16], [sflag:$0x3], $0x80, $0x38;
	[tilespmem:$0x1B500] =	vst v63  }
0x16: {  	_ =	swait.ge [sflag:s13], $0x80  }
0x17: {  	[sflag:s13] =	ssyncset.done $0x0  }
0x18: {  	[sflag:s13] =	ssyncadd.s32 $0xFFFFFF80  }
.LBB2_1:
0x19: {  	[tilespmem:s12], [sflag:$0x3] =	stream.linear.gather [hbm4b:s3+s5], $0x80, $0x38;
	[tilespmem:$0x1B500] =	vst v63  }
0x1a: {  	_ =	swait.ge [sflag:s13], $0x80  }
0x1b: {  	[sflag:s13] =	ssyncset.done $0x0  }
0x1c: {  	[sflag:s13] =	ssyncadd.s32 $0xFFFFFF80  }
0x1d: {  	v1 =	vld [tilespmem:$0x19400]  }
0x1e: {  	v2 =	vld [tilespmem:$0x19410]  }
0x1f: {  	v3 =	vld [tilespmem:$0x19420]  }
0x20: {  	v7 =	vld [tilespmem:$0x19460]  }
0x21: {  	v4 =	vld [tilespmem:$0x19430]  }
0x22: {  	v8 =	vld [tilespmem:$0x19470]  }
0x23: {  	v5 =	vld [tilespmem:$0x19440]  }
0x24: {  	s20 =	simm.s32 $0x0;
	s21 =	simm.s32 $0x200;
	v6 =	vld [tilespmem:$0x19450]  }
.LBB2_2:
0x25: {  	p0 =	sne.s32 s21, $0x7E00;
	[tilespmem:s20+$0x194F0] =	vst v0  }
0x26: {  	[tilespmem:s20+$0x19480] =	vst v0  }
0x27: {  	[tilespmem:s20+$0x19490] =	vst v0  }
.Ltmp2:
0x28: {  	[tilespmem:s20+$0x194A0] =	vst v0;
	(pc) =	sbr.rel @p0 .LBB2_2-.Ltmp2, $4  }
0x29: {  	[tilespmem:s20+$0x194B0] =	vst v0  }
0x2a: {  	[tilespmem:s20+$0x194C0] =	vst v0  }
0x2b: {  	[tilespmem:s20+$0x194D0] =	vst v0  }
0x2c: {  	[tilespmem:s20+$0x194E0] =	vst v0;
	s20 =	sshra.s32 s21, $0x2;
	s21 =	sadd.s32 $0x200, s21  }
0x2d: {  	[tilespmem:s20+$0x194F0] =	vst v0  }
0x2e: {  	[tilespmem:s20+$0x19480] =	vst v0  }
0x2f: {  	[tilespmem:s20+$0x19490] =	vst v0  }
0x30: {  	[tilespmem:s20+$0x194A0] =	vst v0  }
0x31: {  	[tilespmem:s20+$0x194B0] =	vst v0  }
0x32: {  	[tilespmem:s20+$0x194C0] =	vst v0  }
0x33: {  	[tilespmem:s20+$0x194D0] =	vst v0  }
.Ltmp3:
0x34: {  	[tilespmem:s20+$0x194E0] =	vst v0;
	(pc) =	sbr.rel .LBB2_4-.Ltmp3, $4  }
0x35: {  	s20 =	simm.s32 $0x0;
	[tilespmem:$0x1B480] =	vst v0  }
0x36: {  	[tilespmem:s20], [sflag:$0x1] =	stream.linear.gather [hbm4b:s7+s20], $0xC800, $0x38;
	[tilespmem:$0x1B500] =	vst v63  }
0x37: {  	_ = 	snop  }
0x38: {  	[tilespmem:s14], [sflag:$0x1] =	stream.linear.gather [hbm4b:s8+s20], $0x190, $0x38;
	[tilespmem:$0x1B500] =	vst v63  }
.LBB2_24:
0x39: {  	s20 =	sadd.s32 $0x1, s20  }
0x3a: {  	p0 =	sne.s32 s20, $0x3  }
.Ltmp4:
0x3b: {  	_ = 	snop;
	(pc) =	sbr.rel @!p0 .LBB2_25-.Ltmp4, $1  }
0x3c: {  	_ =	sdelay $0x3  }
.LBB2_4:
0x3d: {  	s21 =	sshll.u32 s20, $0x5  }
0x3e: {  	s21 =	sor.u32 s6, s21  }
0x3f: {  	p0 =	sgt.u32 s21, $0x59  }
.Ltmp5:
0x40: {  	_ = 	snop;
	(pc) =	sbr.rel @p0 .LBB2_24-.Ltmp5, $1  }
0x41: {  	_ =	sdelay $0x3  }
0x42: {  	s22 =	sand.u32 $0x1, s20  }
0x43: {  	p0 =	seq.s32 s22, $0x1  }
.Ltmp6:
0x44: {  	_ = 	snop;
	(pc) =	sbr.rel @p0 .LBB2_15-.Ltmp6, $1  }
0x45: {  	_ =	sdelay $0x3  }
0x46: {  	s21 =	sor.u32 $0x20, s21  }
0x47: {  	p0 =	sgt.u32 s21, $0x59  }
0x48: {  	s22 =	smul.u32 @!p0 $0x1900, s21  }
0x49: {  	s23 =	simm.s32 @!p0 $0x0  }
0x4a: {  	s24 =	simm.s32 @!p0 $0xC800;
	s21 =	smul.u32 @!p0 $0x32, s21;
	s22 =	sadd.s32 @!p0 s1, s22  }
0x4b: {  	[tilespmem:s24], [sflag:$0x2] =	stream.linear.gather @!p0 [hbm4b:s22+s23], $0xC800, $0x38;
	[tilespmem:$0x1B500] =	vst v63  }
0x4c: {  	s21 =	sadd.s32 @!p0 s2, s21;
	s22 =	simm.s32 @!p0 $0x19200  }
0x4d: {  	[tilespmem:s22], [sflag:$0x2] =	stream.linear.gather @!p0 [hbm4b:s21+s23], $0x190, $0x38;
	[tilespmem:$0x1B500] =	vst v63  }
0x4e: {  	_ =	swait.ge [sflag:s15], $0xC800  }
.Ltmp7:
0x4f: {  	[sflag:s15] =	ssyncset.done $0x0;
	(pc) =	sbr.rel .LBB2_7-.Ltmp7, $4  }
0x50: {  	[sflag:s15] =	ssyncadd.s32 $0xFFFF3800  }
0x51: {  	_ =	swait.ge [sflag:s15], $0x190  }
0x52: {  	s21 =	simm.s32 $0x0;
	[sflag:s15] =	ssyncset.done $0x0  }
0x53: {  	s22 =	simm.s32 $0x19000;
	s23 =	simm.s32 $0x40;
	[sflag:s15] =	ssyncadd.s32 $0xFFFFFE70  }
.LBB2_13:
0x54: {  	[tilespmem:s28+$0x194E0] =	vst.add.f32.msk $0xffff, v17  }
0x55: {  	[tilespmem:s28+$0x194F0] =	vst.add.f32.msk $0xffff, v16  }
0x56: {  	v13 =	vmul.f32 v14, v13;
	[tilespmem:s28+$0x194B0] =	vst.add.f32.msk $0xffff, v18  }
0x57: {  	v12 =	vmul.f32 v14, v12;
	[tilespmem:s28+$0x19480] =	vst.add.f32.msk $0xffff, v15  }
0x58: {  	v10 =	vmul.f32 v14, v10;
	[tilespmem:s28+$0x194D0] =	vst.add.f32.msk $0xffff, v13  }
0x59: {  	v11 =	vmul.f32 v14, v11;
	[tilespmem:s28+$0x194C0] =	vst.add.f32.msk $0xffff, v12  }
0x5a: {  	[tilespmem:s28+$0x19490] =	vst.add.f32.msk $0xffff, v10  }
0x5b: {  	[tilespmem:s28+$0x194A0] =	vst.add.f32.msk $0xffff, v11  }
.LBB2_14:
0x5c: {  	s21 =	sadd.s32 $0x1, s21  }
0x5d: {  	p0 =	seq.s32 s21, $0x5  }
.Ltmp8:
0x5e: {  	_ = 	snop;
	(pc) =	sbr.rel @p0 .LBB2_24-.Ltmp8, $2  }
0x5f: {  	_ =	sdelay $0x2  }
0x60: {  	[tilespmem:s16+$0x0] =	vst.add.f32.msk $0xffff, v9;
	s22 =	sadd.s32 $0x50, s22;
	s23 =	sadd.s32 $0x2800, s23  }
.LBB2_7:
0x61: {  	s24 =	smul.u32 $0x50, s21;
	_ =	sdelay $0x1  }
0x62: {  	v9 =	vld [tilespmem:s24+$0x19000]  }
0x63: {  	v10 =	vld [tilespmem:s24+$0x19040];
	_ =	sdelay $0x3  }
0x64: {  	(v2sf) =	vpush v9, $0x0  }
0x65: {  	(v2sf) =	vpush v10, $0xF;
	_ =	sdelay $0xd  }
0x66: {  	s24 =	spop (v2sf)  }
0x67: {  	s25 =	spop (v2sf)  }
0x68: {  	p0 =	sne.s32 s24, s25  }
.Ltmp9:
0x69: {  	_ = 	snop;
	(pc) =	sbr.rel @p0 .LBB2_11-.Ltmp9, $2  }
0x6a: {  	_ =	sdelay $0x2  }
0x6b: {  	v9 =	vimm.f32 $0.0e+00  }
0x6c: {  	v26 =	vmov s23;
	_ =	sdelay $0x3  }
0x6d: {  	s25 =	simm.s32 $0x0  }
0x6e: {  	v34 =	vld.idx.msk [tilespmem:v26+s25+$0xFFFFFFC0 ss:$0x1], $0xffff  }
0x6f: {  	v10 =	vld.idx.msk [tilespmem:v26+s25+$0xFFFFFFD0 ss:$0x1], $0xffff;
	_ =	sdelay $0x1  }
0x70: {  	v14 =	vld.idx.msk [tilespmem:v26+s25+$0xFFFFFFE0 ss:$0x1], $0xffff;
	_ =	sdelay $0x1  }
0x71: {  	v21 =	vld.idx.msk [tilespmem:v26+s25+$0xFFFFFFF0 ss:$0x1], $0xffff  }
0x72: {  	v11 =	vmul.f32 v34, v1;
	v12 =	vmul.f32 v10, v2  }
0x73: {  	v25 =	vld.idx.msk [tilespmem:v26+s25+$0x0 ss:$0x1], $0xffff  }
0x74: {  	v11 =	vadd.f32 v12, v11;
	v12 =	vmul.f32 v14, v3  }
0x75: {  	v24 =	vld.idx.msk [tilespmem:v26+s25+$0x10 ss:$0x1], $0xffff  }
0x76: {  	v11 =	vadd.f32 v12, v11;
	v12 =	vmul.f32 v21, v4  }
0x77: {  	v18 =	vld.idx.msk [tilespmem:v26+s25+$0x20 ss:$0x1], $0xffff  }
0x78: {  	v11 =	vadd.f32 v12, v11;
	v12 =	vmul.f32 v25, v5  }
0x79: {  	v36 =	vld.idx.msk [tilespmem:v26+s25+$0x30 ss:$0x1], $0xffff  }
0x7a: {  	v11 =	vadd.f32 v12, v11;
	v12 =	vmul.f32 v24, v6  }
0x7b: {  	s31 =	simm.s32 $0x80  }
0x7c: {  	v16 =	vld.idx.msk [tilespmem:v26+s31+$0xFFFFFFC0 ss:$0x1], $0xffff;
	v11 =	vadd.f32 v12, v11;
	v12 =	vmul.f32 v18, v7  }
0x7d: {  	v19 =	vld.idx.msk [tilespmem:v26+s31+$0xFFFFFFD0 ss:$0x1], $0xffff  }
0x7e: {  	v11 =	vadd.f32 v12, v11;
	v12 =	vmul.f32 v36, v8  }
0x7f: {  	v15 =	vld.idx.msk [tilespmem:v26+s31+$0xFFFFFFE0 ss:$0x1], $0xffff  }
0x80: {  	v11 =	vadd.f32 v12, v11  }
0x81: {  	v17 =	vld.idx.msk [tilespmem:v26+s31+$0xFFFFFFF0 ss:$0x1], $0xffff  }
0x82: {  	v20 =	vmul.f32 v19, v2;
	v12 =	vmul.f32 v16, v1;
	(xrf2) =	vadd.scan.msk.f32 $0xffff, v11  }
0x83: {  	v11 =	vld.idx.msk [tilespmem:v26+s31+$0x0 ss:$0x1], $0xffff  }
0x84: {  	v22 =	vmul.f32 v15, v3;
	v20 =	vadd.f32 v20, v12  }
0x85: {  	v13 =	vld.idx.msk [tilespmem:v26+s31+$0x10 ss:$0x1], $0xffff  }
0x86: {  	v27 =	vmul.f32 v17, v4;
	v22 =	vadd.f32 v22, v20  }
0x87: {  	v20 =	vld.idx.msk [tilespmem:v26+s31+$0x20 ss:$0x1], $0xffff  }
0x88: {  	v22 =	vadd.f32 v27, v22;
	v27 =	vmul.f32 v11, v5  }
0x89: {  	v30 =	vld.idx.msk [tilespmem:v26+s31+$0x30 ss:$0x1], $0xffff  }
0x8a: {  	v22 =	vadd.f32 v27, v22;
	v27 =	vmul.f32 v13, v6  }
0x8b: {  	s26 =	simm.s32 $0x100  }
0x8c: {  	v28 =	vld.idx.msk [tilespmem:v26+s26+$0xFFFFFFD0 ss:$0x1], $0xffff;
	v22 =	vadd.f32 v27, v22;
	v27 =	vmul.f32 v20, v7;
	v23, _, _ =	vpop (xrf2)  }
0x8d: {  	v12 =	vld.idx.msk [tilespmem:v26+s26+$0xFFFFFFC0 ss:$0x1], $0xffff;
	v23 =	vmin.f32 v23, $6.000000000e+01  }
0x8e: {  	v35 =	vmul.f32 v30, v8;
	v27 =	vadd.f32 v27, v22;
	v29 =	vmul.f32 $1.442695020e+00, v23  }
0x8f: {  	v23 =	vld.idx.msk [tilespmem:v26+s26+$0xFFFFFFE0 ss:$0x1], $0xffff  }
0x90: {  	v35 =	vadd.f32 v35, v27;
	v31 =	vbroadcast v29, $0xF  }
0x91: {  	v33 =	vmul.f32 v28, v2;
	v29 =	vld.idx.msk [tilespmem:v26+s26+$0xFFFFFFF0 ss:$0x1], $0xffff  }
0x92: {  	(xrf2) =	vadd.scan.msk.f32 $0xffff, v35;
	(erf) = vpow2.f32 v31;
	v31 =	vmul.f32 v12, v1  }
0x93: {  	v32 =	vld.idx.msk [tilespmem:v26+s26+$0x0 ss:$0x1], $0xffff  }
0x94: {  	v62 =	vmul.f32 v23, v3;
	v31 =	vadd.f32 v33, v31  }
0x95: {  	v22 =	vld.idx.msk [tilespmem:v26+s26+$0x10 ss:$0x1], $0xffff  }
0x96: {  	v63 =	vmul.f32 v29, v4;
	v31 =	vadd.f32 v62, v31  }
0x97: {  	v27 =	vld.idx.msk [tilespmem:v26+s26+$0x20 ss:$0x1], $0xffff  }
0x98: {  	v37 =	vmul.f32 v32, v5;
	v31 =	vadd.f32 v63, v31  }
0x99: {  	v33 =	vld.idx.msk [tilespmem:v26+s26+$0x30 ss:$0x1], $0xffff  }
0x9a: {  	s24 =	sshll.u32 s24, $0x9;
	s25 =	simm.s32 $0x180;
	v38 =	vmul.f32 v22, v6;
	v37 =	vadd.f32 v37, v31  }
0x9b: {  	s24 =	sshra.s32 s24, $0x2;
	s26 =	simm.s32 $0x800;
	v31 =	vld.idx.msk [tilespmem:v26+s25+$0xFFFFFFC0 ss:$0x1], $0xffff;
	v35 =	vpop (erf)  }
.LBB2_9:
0x9c: {  	p0 =	seq.s32 s26, $0x9E00;
	v39 =	vld.idx.msk [tilespmem:v26+s25+$0xFFFFFFD0 ss:$0x1], $0xffff;
	v37 =	vadd.f32 v38, v37;
	v38 =	vmul.f32 v27, v7;
	v40, _, _ =	vpop (xrf2);
	v36 =	vmul.f32 v35, v36  }
0x9d: {  	v34 =	vmul.f32 v35, v34;
	v42 =	vmul.f32 v35, v10;
	v10 =	vmovc v19;
	v41 =	vld.idx.msk [tilespmem:v26+s25+$0xFFFFFFE0 ss:$0x1], $0xffff;
	v40 =	vmin.f32 v40, $6.000000000e+01  }
0x9e: {  	v19 =	vmovc v28;
	v37 =	vadd.f32 v38, v37;
	v38 =	vmul.f32 v33, v8;
	v40 =	vmul.f32 $1.442695020e+00, v40;
	[tilespmem:s24+$0x194F0] =	vst.add.f32.msk $0xffff, v36  }
0x9f: {  	v9 =	vadd.f32 v35, v9;
	v36 =	vmul.f32 v35, v21;
	[tilespmem:s24+$0x19480] =	vst.add.f32.msk $0xffff, v34;
	v34 =	vmul.f32 v35, v14  }
0xa0: {  	v14 =	vmovc v15;
	v43 =	vld.idx.msk [tilespmem:v26+s25+$0xFFFFFFF0 ss:$0x1], $0xffff;
	v46 =	vadd.f32 v38, v37;
	v37 =	vbroadcast v40, $0xF;
	v38 =	vmul.f32 v35, v25  }
0xa1: {  	v21 =	vmovc v17;
	v15 =	vmov v23;
	v40 =	vmul.f32 v31, v1;
	[tilespmem:s24+$0x19490] =	vst.add.f32.msk $0xffff, v42;
	v42 =	vmul.f32 v35, v24  }
0xa2: {  	v17 =	vmovc v29;
	v45 =	vmul.f32 v39, v2;
	v28 =	vmov v39;
	v44 =	vld.idx.msk [tilespmem:v26+s25+$0x0 ss:$0x1], $0xffff;
	(xrf2) =	vadd.scan.msk.f32 $0xffff, v46;
	(erf) = vpow2.f32 v37  }
0xa3: {  	v25 =	vmovc v11;
	v11 =	vmovc v32;
	v35 =	vmul.f32 v35, v18;
	v24 =	vmov v13;
	v23 =	vmov v41;
	[tilespmem:s24+$0x194A0] =	vst.add.f32.msk $0xffff, v34  }
0xa4: {  	v13 =	vmovc v22;
	v18 =	vmov v20;
	v39 =	vadd.f32 v45, v40;
	v32 =	vmul.f32 v23, v3;
	v22 =	vld.idx.msk [tilespmem:v26+s25+$0x10 ss:$0x1], $0xffff  }
0xa5: {  	v20 =	vmovc v27;
	v34 =	vmovc v16;
	v16 =	vmov v12;
	[tilespmem:s24+$0x194B0] =	vst.add.f32.msk $0xffff, v36;
	v36 =	vmov v30;
	v30 =	vmov v33  }
0xa6: {  	v12 =	vmovc v31;
	v39 =	vadd.f32 v32, v39;
	v37 =	vmul.f32 v43, v4;
	v29 =	vmov v43;
	v27 =	vld.idx.msk [tilespmem:v26+s25+$0x20 ss:$0x1], $0xffff  }
.Ltmp10:
0xa7: {  	[tilespmem:s24+$0x194C0] =	vst.add.f32.msk $0xffff, v38;
	(pc) =	sbr.rel @!p0 .LBB2_9-.Ltmp10, $4  }
0xa8: {  	v31 =	vadd.f32 v37, v39;
	v37 =	vmul.f32 v44, v5;
	v32 =	vmov v44;
	v33 =	vld.idx.msk [tilespmem:v26+s25+$0x30 ss:$0x1], $0xffff  }
0xa9: {  	[tilespmem:s24+$0x194D0] =	vst.add.f32.msk $0xffff, v42  }
0xaa: {  	s25 =	sshra.s32 s26, $0x2;
	v37 =	vadd.f32 v37, v31;
	v38 =	vmul.f32 v22, v6;
	[tilespmem:s24+$0x194E0] =	vst.add.f32.msk $0xffff, v35  }
0xab: {  	s26 =	sadd.s32 $0x200, s26;
	v31 =	vld.idx.msk [tilespmem:v26+s25+$0xFFFFFFC0 ss:$0x1], $0xffff;
	v35 =	vpop (erf)  }
0xac: {  	_ =	sdelay $0x3  }
0xad: {  	v39 =	vld.idx.msk [tilespmem:v26+s25+$0xFFFFFFD0 ss:$0x1], $0xffff;
	_ =	sdelay $0x1  }
0xae: {  	v40 =	vld.idx.msk [tilespmem:v26+s25+$0xFFFFFFE0 ss:$0x1], $0xffff;
	_ =	sdelay $0x1  }
0xaf: {  	v41 =	vld.idx.msk [tilespmem:v26+s25+$0xFFFFFFF0 ss:$0x1], $0xffff  }
0xb0: {  	v42 =	vmul.f32 v31, v1;
	v43 =	vmul.f32 v39, v2  }
0xb1: {  	v37 =	vadd.f32 v38, v37;
	v44 =	vld.idx.msk [tilespmem:v26+s25+$0x0 ss:$0x1], $0xffff  }
0xb2: {  	v56 =	vmul.f32 v27, v7;
	v57 =	vmul.f32 v40, v3;
	v42 =	vadd.f32 v43, v42  }
0xb3: {  	v38 =	vld.idx.msk [tilespmem:v26+s25+$0x10 ss:$0x1], $0xffff;
	v45 =	vmul.f32 v33, v8  }
0xb4: {  	v37 =	vadd.f32 v56, v37;
	v58 =	vmul.f32 v41, v4;
	v42 =	vadd.f32 v57, v42  }
0xb5: {  	v46 =	vld.idx.msk [tilespmem:v26+s25+$0x20 ss:$0x1], $0xffff  }
0xb6: {  	v37 =	vadd.f32 v45, v37;
	v59 =	vmul.f32 v44, v5;
	v42 =	vadd.f32 v58, v42  }
0xb7: {  	v26 =	vld.idx.msk [tilespmem:v26+s25+$0x30 ss:$0x1], $0xffff  }
0xb8: {  	v61 =	vmul.f32 v38, v6;
	(xrf2) =	vadd.scan.msk.f32 $0xffff, v37;
	v60 =	vadd.f32 v59, v42  }
0xb9: {  	v62, _, _ =	vpop (xrf2)  }
0xba: {  	v63 =	vmul.f32 v46, v7;
	v43 =	vmin.f32 v62, $6.000000000e+01;
	v37 =	vadd.f32 v61, v60  }
0xbb: {  	v43 =	vmul.f32 $1.442695020e+00, v43  }
0xbc: {  	v45 =	vmul.f32 v26, v8;
	v37 =	vadd.f32 v63, v37  }
0xbd: {  	v47 =	vbroadcast v43, $0xF  }
0xbe: {  	v37 =	vadd.f32 v45, v37  }
0xbf: {  	(erf) = vpow2.f32 v47  }
0xc0: {  	(xrf2) =	vadd.scan.msk.f32 $0xffff, v37;
	_ =	sdelay $0x1  }
0xc1: {  	v36 =	vmul.f32 v35, v36;
	v48, _, _ =	vpop (xrf2)  }
0xc2: {  	v34 =	vmul.f32 v35, v34;
	v37 =	vmin.f32 v48, $6.000000000e+01  }
0xc3: {  	v10 =	vmul.f32 v35, v10;
	[tilespmem:s24+$0x194F0] =	vst.add.f32.msk $0xffff, v36;
	v49 =	vmul.f32 $1.442695020e+00, v37  }
0xc4: {  	v14 =	vmul.f32 v35, v14;
	[tilespmem:s24+$0x19480] =	vst.add.f32.msk $0xffff, v34  }
0xc5: {  	v21 =	vmul.f32 v35, v21;
	[tilespmem:s24+$0x19490] =	vst.add.f32.msk $0xffff, v10;
	v10 =	vbroadcast v49, $0xF  }
0xc6: {  	v25 =	vmul.f32 v35, v25;
	[tilespmem:s24+$0x194A0] =	vst.add.f32.msk $0xffff, v14  }
0xc7: {  	v50 =	vmul.f32 v35, v24;
	[tilespmem:s24+$0x194B0] =	vst.add.f32.msk $0xffff, v21;
	v51 =	vpop (erf);
	(erf) = vpow2.f32 v10  }
0xc8: {  	[tilespmem:s24+$0x194C0] =	vst.add.f32.msk $0xffff, v25;
	v52 =	vmul.f32 v51, v30  }
0xc9: {  	[tilespmem:s24+$0x194D0] =	vst.add.f32.msk $0xffff, v50;
	v10 =	vmul.f32 v35, v18;
	v53, _, _ =	vpop (xrf2)  }
0xca: {  	v19 =	vmul.f32 v51, v19;
	[tilespmem:s24+$0x194F0] =	vst.add.f32.msk $0xffff, v52;
	v54 =	vmin.f32 v53, $6.000000000e+01  }
0xcb: {  	[tilespmem:s24+$0x194E0] =	vst.add.f32.msk $0xffff, v10;
	v10 =	vmul.f32 v51, v16;
	v55 =	vmul.f32 $1.442695020e+00, v54  }
0xcc: {  	v56 =	vmul.f32 v51, v17;
	[tilespmem:s24+$0x19490] =	vst.add.f32.msk $0xffff, v19  }
0xcd: {  	[tilespmem:s24+$0x19480] =	vst.add.f32.msk $0xffff, v10;
	v10 =	vmul.f32 v51, v15;
	v14 =	vbroadcast v55, $0xF  }
0xce: {  	v11 =	vmul.f32 v51, v11;
	[tilespmem:s24+$0x194B0] =	vst.add.f32.msk $0xffff, v56  }
0xcf: {  	[tilespmem:s24+$0x194A0] =	vst.add.f32.msk $0xffff, v10;
	v10 =	vmul.f32 v51, v13;
	(erf) = vpow2.f32 v14  }
0xd0: {  	v58 =	vmul.f32 v51, v20;
	[tilespmem:s24+$0x194C0] =	vst.add.f32.msk $0xffff, v11;
	v57 =	vpop (erf)  }
0xd1: {  	[tilespmem:s24+$0x194D0] =	vst.add.f32.msk $0xffff, v10;
	v10 =	vmul.f32 v57, v33  }
0xd2: {  	[tilespmem:s24+$0x194E0] =	vst.add.f32.msk $0xffff, v58;
	v11 =	vmul.f32 v57, v12  }
0xd3: {  	v59 =	vmul.f32 v57, v28;
	[tilespmem:s24+$0x194F0] =	vst.add.f32.msk $0xffff, v10  }
0xd4: {  	v60 =	vmul.f32 v57, v32;
	[tilespmem:s24+$0x19480] =	vst.add.f32.msk $0xffff, v11  }
0xd5: {  	v10 =	vmul.f32 v57, v23;
	[tilespmem:s24+$0x19490] =	vst.add.f32.msk $0xffff, v59  }
0xd6: {  	v11 =	vmul.f32 v57, v29;
	[tilespmem:s24+$0x194C0] =	vst.add.f32.msk $0xffff, v60  }
0xd7: {  	[tilespmem:s24+$0x194A0] =	vst.add.f32.msk $0xffff, v10;
	v10 =	vmul.f32 v57, v22  }
0xd8: {  	[tilespmem:s24+$0x194B0] =	vst.add.f32.msk $0xffff, v11;
	v11 =	vmul.f32 v57, v27;
	v61 =	vpop (erf)  }
0xd9: {  	[tilespmem:s24+$0x194D0] =	vst.add.f32.msk $0xffff, v10;
	v10 =	vmul.f32 v61, v26  }
0xda: {  	[tilespmem:s24+$0x194E0] =	vst.add.f32.msk $0xffff, v11;
	v11 =	vmul.f32 v61, v31  }
0xdb: {  	v62 =	vmul.f32 v61, v39;
	[tilespmem:s24+$0x194F0] =	vst.add.f32.msk $0xffff, v10  }
0xdc: {  	v9 =	vadd.f32 v35, v9;
	v63 =	vmul.f32 v61, v44;
	[tilespmem:s24+$0x19480] =	vst.add.f32.msk $0xffff, v11  }
0xdd: {  	v10 =	vmul.f32 v61, v40;
	[tilespmem:s24+$0x19490] =	vst.add.f32.msk $0xffff, v62  }
.Ltmp11:
0xde: {  	v9 =	vadd.f32 v51, v9;
	v11 =	vmul.f32 v61, v41;
	[tilespmem:s24+$0x194C0] =	vst.add.f32.msk $0xffff, v63;
	(pc) =	sbr.rel .LBB2_14-.Ltmp11, $4  }
0xdf: {  	[tilespmem:s24+$0x194A0] =	vst.add.f32.msk $0xffff, v10;
	v10 =	vmul.f32 v61, v38  }
0xe0: {  	v9 =	vadd.f32 v57, v9;
	[tilespmem:s24+$0x194B0] =	vst.add.f32.msk $0xffff, v11;
	v11 =	vmul.f32 v61, v46  }
0xe1: {  	[tilespmem:s24+$0x194D0] =	vst.add.f32.msk $0xffff, v10  }
0xe2: {  	v9 =	vadd.f32 v61, v9;
	[tilespmem:s24+$0x194E0] =	vst.add.f32.msk $0xffff, v11  }
.LBB2_11:
0xe3: {  	v15 =	vld [tilespmem:s23+$0xFFFFFFC0]  }
0xe4: {  	v10 =	vld [tilespmem:s23+$0xFFFFFFD0];
	_ =	sdelay $0x1  }
0xe5: {  	v11 =	vld [tilespmem:s23+$0xFFFFFFE0];
	_ =	sdelay $0x1  }
0xe6: {  	v18 =	vld [tilespmem:s23+$0xFFFFFFF0]  }
0xe7: {  	v13 =	vmul.f32 v15, v1;
	v14 =	vmul.f32 v10, v2  }
0xe8: {  	v12 =	vld [tilespmem:s23+$0x0]  }
0xe9: {  	v16 =	vmul.f32 v11, v3;
	v14 =	vadd.f32 v14, v13  }
0xea: {  	v13 =	vld [tilespmem:s23+$0x10]  }
0xeb: {  	v14 =	vadd.f32 v16, v14;
	v16 =	vmul.f32 v18, v4  }
0xec: {  	v17 =	vld [tilespmem:s23+$0x20]  }
0xed: {  	v14 =	vadd.f32 v16, v14;
	v16 =	vmul.f32 v12, v5  }
0xee: {  	v19 =	vld [tilespmem:s23+$0x30]  }
0xef: {  	v14 =	vadd.f32 v16, v14;
	v16 =	vmul.f32 v13, v6;
	_ =	sdelay $0x1  }
0xf0: {  	v14 =	vadd.f32 v16, v14;
	v16 =	vmul.f32 v17, v7;
	_ =	sdelay $0x1  }
0xf1: {  	v14 =	vadd.f32 v16, v14;
	v16 =	vmul.f32 v19, v8;
	_ =	sdelay $0x1  }
0xf2: {  	v14 =	vadd.f32 v16, v14;
	_ =	sdelay $0x1  }
0xf3: {  	(xrf2) =	vadd.scan.msk.f32 $0xffff, v14;
	_ =	sdelay $0x3  }
0xf4: {  	s24 =	sadd.s32 $0x0, s22  }
0xf5: {  	v14 =	vld [tilespmem:s24+$0x0];
	_ =	sdelay $0x4  }
0xf6: {  	(v2sf) =	vpush v14, $0x0;
	v16, _, _ =	vpop (xrf2)  }
0xf7: {  	v14 =	vmin.f32 v16, $6.000000000e+01  }
0xf8: {  	v14 =	vmul.f32 $1.442695020e+00, v14;
	_ =	sdelay $0x1  }
0xf9: {  	v14 =	vbroadcast v14, $0xF;
	_ =	sdelay $0x1  }
0xfa: {  	(erf) = vpow2.f32 v14;
	_ =	sdelay $0x8  }
0xfb: {  	s31 =	spop (v2sf);
	v14 =	vpop (erf)  }
0xfc: {  	s25 =	sshll.u32 s31, $0x9;
	v17 =	vmul.f32 v14, v17;
	v16 =	vmul.f32 v14, v19  }
0xfd: {  	s24 =	simm.s32 $0x4;
	s28 =	sshra.s32 s25, $0x2;
	s25 =	smov.u32 s23;
	v9 =	vadd.f32 v14, v9;
	v15 =	vmul.f32 v14, v15;
	v18 =	vmul.f32 v14, v18  }
.LBB2_12:
0xfe: {  	p0 =	sne.s32 s24, $0x13C  }
0xff: {  	v11 =	vmul.f32 v14, v11;
	v12 =	vmul.f32 v14, v12;
	[tilespmem:s28+$0x194E0] =	vst.add.f32.msk $0xffff, v17;
	s25 =	sadd.s32 $0x80, s25;
	s26 =	smov.u32 s24;
	s24 =	sadd.s32 $0x4, s24  }
0x100: {  	v10 =	vmul.f32 v14, v10;
	v13 =	vmul.f32 v14, v13;
	[tilespmem:s28+$0x194F0] =	vst.add.f32.msk $0xffff, v16  }
0x101: {  	[tilespmem:s28+$0x194B0] =	vst.add.f32.msk $0xffff, v18  }
0x102: {  	[tilespmem:s28+$0x19480] =	vst.add.f32.msk $0xffff, v15  }
0x103: {  	[tilespmem:s28+$0x194D0] =	vst.add.f32.msk $0xffff, v13  }
0x104: {  	[tilespmem:s28+$0x194C0] =	vst.add.f32.msk $0xffff, v12  }
0x105: {  	[tilespmem:s28+$0x19490] =	vst.add.f32.msk $0xffff, v10  }
0x106: {  	[tilespmem:s28+$0x194A0] =	vst.add.f32.msk $0xffff, v11  }
0x107: {  	v15 =	vld [tilespmem:s25+$0xFFFFFFC0]  }
0x108: {  	v10 =	vld [tilespmem:s25+$0xFFFFFFD0];
	_ =	sdelay $0x1  }
0x109: {  	v11 =	vld [tilespmem:s25+$0xFFFFFFE0];
	_ =	sdelay $0x1  }
0x10a: {  	v18 =	vld [tilespmem:s25+$0xFFFFFFF0]  }
0x10b: {  	v13 =	vmul.f32 v15, v1;
	v14 =	vmul.f32 v10, v2  }
0x10c: {  	v12 =	vld [tilespmem:s25+$0x0]  }
0x10d: {  	v14 =	vadd.f32 v14, v13;
	v16 =	vmul.f32 v11, v3  }
0x10e: {  	v13 =	vld [tilespmem:s25+$0x10]  }
0x10f: {  	v14 =	vadd.f32 v16, v14;
	v16 =	vmul.f32 v18, v4  }
0x110: {  	v17 =	vld [tilespmem:s25+$0x20]  }
0x111: {  	v14 =	vadd.f32 v16, v14;
	v16 =	vmul.f32 v12, v5  }
0x112: {  	v19 =	vld [tilespmem:s25+$0x30]  }
0x113: {  	v14 =	vadd.f32 v16, v14;
	v16 =	vmul.f32 v13, v6;
	_ =	sdelay $0x1  }
0x114: {  	v14 =	vadd.f32 v16, v14;
	v16 =	vmul.f32 v17, v7;
	_ =	sdelay $0x1  }
0x115: {  	v14 =	vadd.f32 v16, v14;
	v16 =	vmul.f32 v19, v8;
	_ =	sdelay $0x1  }
0x116: {  	v14 =	vadd.f32 v16, v14;
	_ =	sdelay $0x1  }
0x117: {  	(xrf2) =	vadd.scan.msk.f32 $0xffff, v14;
	_ =	sdelay $0x2  }
0x118: {  	s26 =	sshra.s32 s26, $0x2  }
0x119: {  	s26 =	sadd.s32 s26, s22  }
0x11a: {  	v14 =	vld [tilespmem:s26+$0x0];
	_ =	sdelay $0x4  }
0x11b: {  	v16, _, _ =	vpop (xrf2);
	(v2sf) =	vpush v14, $0x0  }
0x11c: {  	v14 =	vmin.f32 v16, $6.000000000e+01  }
0x11d: {  	v14 =	vmul.f32 $1.442695020e+00, v14;
	_ =	sdelay $0x1  }
0x11e: {  	v14 =	vbroadcast v14, $0xF;
	_ =	sdelay $0x1  }
0x11f: {  	(erf) = vpow2.f32 v14;
	_ =	sdelay $0x6  }
.Ltmp12:
0x120: {  	(pc) =	sbr.rel @p0 .LBB2_12-.Ltmp12, $4  }
0x121: {  	_ = 	snop  }
0x122: {  	v14 =	vpop (erf);
	s26 =	spop (v2sf)  }
0x123: {  	s26 =	sshll.u32 s26, $0x9;
	v17 =	vmul.f32 v14, v17;
	v16 =	vmul.f32 v14, v19;
	v9 =	vadd.f32 v14, v9  }
0x124: {  	v15 =	vmul.f32 v14, v15;
	v18 =	vmul.f32 v14, v18;
	s28 =	sshra.s32 s26, $0x2  }
.Ltmp13:
0x125: {  	_ = 	snop;
	(pc) =	sbr.rel .LBB2_13-.Ltmp13, $1  }
0x126: {  	_ =	sdelay $0x3  }
.LBB2_15:
0x127: {  	p0 =	sgt.u32 s21, $0x39  }
0x128: {  	s21 =	sadd.s32 @!p0 $0x20, s21  }
0x129: {  	s22 =	smul.u32 @!p0 $0x1900, s21;
	_ =	sdelay $0x1  }
0x12a: {  	s23 =	simm.s32 @!p0 $0x0;
	s21 =	smul.u32 @!p0 $0x32, s21;
	s22 =	sadd.s32 @!p0 s1, s22  }
0x12b: {  	[tilespmem:s23], [sflag:$0x1] =	stream.linear.gather @!p0 [hbm4b:s22+s23], $0xC800, $0x38;
	[tilespmem:$0x1B500] =	vst v63  }
0x12c: {  	s21 =	sadd.s32 @!p0 s2, s21;
	s22 =	simm.s32 @!p0 $0x19000  }
0x12d: {  	[tilespmem:s22], [sflag:$0x1] =	stream.linear.gather @!p0 [hbm4b:s21+s23], $0x190, $0x38;
	[tilespmem:$0x1B500] =	vst v63  }
0x12e: {  	_ =	swait.ge [sflag:s17], $0xC800  }
.Ltmp14:
0x12f: {  	[sflag:s17] =	ssyncset.done $0x0;
	(pc) =	sbr.rel .LBB2_16-.Ltmp14, $4  }
0x130: {  	[sflag:s17] =	ssyncadd.s32 $0xFFFF3800  }
0x131: {  	_ =	swait.ge [sflag:s17], $0x190  }
0x132: {  	s21 =	simm.s32 $0x0;
	[sflag:s17] =	ssyncset.done $0x0  }
0x133: {  	s22 =	simm.s32 $0x19200;
	s23 =	simm.s32 $0xC840;
	[sflag:s17] =	ssyncadd.s32 $0xFFFFFE70  }
.LBB2_22:
0x134: {  	[tilespmem:s28+$0x194E0] =	vst.add.f32.msk $0xffff, v17  }
0x135: {  	[tilespmem:s28+$0x194F0] =	vst.add.f32.msk $0xffff, v16  }
0x136: {  	v13 =	vmul.f32 v14, v13;
	[tilespmem:s28+$0x194B0] =	vst.add.f32.msk $0xffff, v18  }
0x137: {  	v12 =	vmul.f32 v14, v12;
	[tilespmem:s28+$0x19480] =	vst.add.f32.msk $0xffff, v15  }
0x138: {  	v10 =	vmul.f32 v14, v10;
	[tilespmem:s28+$0x194D0] =	vst.add.f32.msk $0xffff, v13  }
0x139: {  	v11 =	vmul.f32 v14, v11;
	[tilespmem:s28+$0x194C0] =	vst.add.f32.msk $0xffff, v12  }
0x13a: {  	[tilespmem:s28+$0x19490] =	vst.add.f32.msk $0xffff, v10  }
0x13b: {  	[tilespmem:s28+$0x194A0] =	vst.add.f32.msk $0xffff, v11  }
.LBB2_23:
0x13c: {  	s21 =	sadd.s32 $0x1, s21  }
0x13d: {  	p0 =	sne.s32 s21, $0x5  }
.Ltmp15:
0x13e: {  	_ = 	snop;
	(pc) =	sbr.rel @!p0 .LBB2_24-.Ltmp15, $2  }
0x13f: {  	_ =	sdelay $0x2  }
0x140: {  	[tilespmem:s16+$0x0] =	vst.add.f32.msk $0xffff, v9;
	s22 =	sadd.s32 $0x50, s22;
	s23 =	sadd.s32 $0x2800, s23  }
.LBB2_16:
0x141: {  	s24 =	smul.u32 $0x50, s21;
	_ =	sdelay $0x1  }
0x142: {  	v9 =	vld [tilespmem:s24+$0x19200]  }
0x143: {  	v10 =	vld [tilespmem:s24+$0x19240];
	_ =	sdelay $0x3  }
0x144: {  	(v2sf) =	vpush v9, $0x0  }
0x145: {  	(v2sf) =	vpush v10, $0xF;
	_ =	sdelay $0xd  }
0x146: {  	s24 =	spop (v2sf)  }
0x147: {  	s25 =	spop (v2sf)  }
0x148: {  	p0 =	sne.s32 s24, s25  }
.Ltmp16:
0x149: {  	_ = 	snop;
	(pc) =	sbr.rel @p0 .LBB2_20-.Ltmp16, $2  }
0x14a: {  	_ =	sdelay $0x2  }
0x14b: {  	v9 =	vimm.f32 $0.0e+00  }
0x14c: {  	v26 =	vmov s23;
	_ =	sdelay $0x3  }
0x14d: {  	s25 =	simm.s32 $0x0  }
0x14e: {  	v34 =	vld.idx.msk [tilespmem:v26+s25+$0xFFFFFFC0 ss:$0x1], $0xffff  }
0x14f: {  	v10 =	vld.idx.msk [tilespmem:v26+s25+$0xFFFFFFD0 ss:$0x1], $0xffff;
	_ =	sdelay $0x1  }
0x150: {  	v14 =	vld.idx.msk [tilespmem:v26+s25+$0xFFFFFFE0 ss:$0x1], $0xffff;
	_ =	sdelay $0x1  }
0x151: {  	v21 =	vld.idx.msk [tilespmem:v26+s25+$0xFFFFFFF0 ss:$0x1], $0xffff  }
0x152: {  	v11 =	vmul.f32 v34, v1;
	v12 =	vmul.f32 v10, v2  }
0x153: {  	v25 =	vld.idx.msk [tilespmem:v26+s25+$0x0 ss:$0x1], $0xffff  }
0x154: {  	v11 =	vadd.f32 v12, v11;
	v12 =	vmul.f32 v14, v3  }
0x155: {  	v24 =	vld.idx.msk [tilespmem:v26+s25+$0x10 ss:$0x1], $0xffff  }
0x156: {  	v11 =	vadd.f32 v12, v11;
	v12 =	vmul.f32 v21, v4  }
0x157: {  	v18 =	vld.idx.msk [tilespmem:v26+s25+$0x20 ss:$0x1], $0xffff  }
0x158: {  	v11 =	vadd.f32 v12, v11;
	v12 =	vmul.f32 v25, v5  }
0x159: {  	v36 =	vld.idx.msk [tilespmem:v26+s25+$0x30 ss:$0x1], $0xffff  }
0x15a: {  	v11 =	vadd.f32 v12, v11;
	v12 =	vmul.f32 v24, v6  }
0x15b: {  	s31 =	simm.s32 $0x80  }
0x15c: {  	v16 =	vld.idx.msk [tilespmem:v26+s31+$0xFFFFFFC0 ss:$0x1], $0xffff;
	v11 =	vadd.f32 v12, v11;
	v12 =	vmul.f32 v18, v7  }
0x15d: {  	v19 =	vld.idx.msk [tilespmem:v26+s31+$0xFFFFFFD0 ss:$0x1], $0xffff  }
0x15e: {  	v11 =	vadd.f32 v12, v11;
	v12 =	vmul.f32 v36, v8  }
0x15f: {  	v15 =	vld.idx.msk [tilespmem:v26+s31+$0xFFFFFFE0 ss:$0x1], $0xffff  }
0x160: {  	v11 =	vadd.f32 v12, v11  }
0x161: {  	v17 =	vld.idx.msk [tilespmem:v26+s31+$0xFFFFFFF0 ss:$0x1], $0xffff  }
0x162: {  	v20 =	vmul.f32 v19, v2;
	v12 =	vmul.f32 v16, v1;
	(xrf2) =	vadd.scan.msk.f32 $0xffff, v11  }
0x163: {  	v11 =	vld.idx.msk [tilespmem:v26+s31+$0x0 ss:$0x1], $0xffff  }
0x164: {  	v22 =	vmul.f32 v15, v3;
	v20 =	vadd.f32 v20, v12  }
0x165: {  	v13 =	vld.idx.msk [tilespmem:v26+s31+$0x10 ss:$0x1], $0xffff  }
0x166: {  	v27 =	vmul.f32 v17, v4;
	v22 =	vadd.f32 v22, v20  }
0x167: {  	v20 =	vld.idx.msk [tilespmem:v26+s31+$0x20 ss:$0x1], $0xffff  }
0x168: {  	v22 =	vadd.f32 v27, v22;
	v27 =	vmul.f32 v11, v5  }
0x169: {  	v30 =	vld.idx.msk [tilespmem:v26+s31+$0x30 ss:$0x1], $0xffff  }
0x16a: {  	v22 =	vadd.f32 v27, v22;
	v27 =	vmul.f32 v13, v6  }
0x16b: {  	s26 =	simm.s32 $0x100  }
0x16c: {  	v28 =	vld.idx.msk [tilespmem:v26+s26+$0xFFFFFFD0 ss:$0x1], $0xffff;
	v22 =	vadd.f32 v27, v22;
	v27 =	vmul.f32 v20, v7;
	v23, _, _ =	vpop (xrf2)  }
0x16d: {  	v12 =	vld.idx.msk [tilespmem:v26+s26+$0xFFFFFFC0 ss:$0x1], $0xffff;
	v23 =	vmin.f32 v23, $6.000000000e+01  }
0x16e: {  	v35 =	vmul.f32 v30, v8;
	v27 =	vadd.f32 v27, v22;
	v29 =	vmul.f32 $1.442695020e+00, v23  }
0x16f: {  	v23 =	vld.idx.msk [tilespmem:v26+s26+$0xFFFFFFE0 ss:$0x1], $0xffff  }
0x170: {  	v35 =	vadd.f32 v35, v27;
	v31 =	vbroadcast v29, $0xF  }
0x171: {  	v33 =	vmul.f32 v28, v2;
	v29 =	vld.idx.msk [tilespmem:v26+s26+$0xFFFFFFF0 ss:$0x1], $0xffff  }
0x172: {  	(xrf2) =	vadd.scan.msk.f32 $0xffff, v35;
	(erf) = vpow2.f32 v31;
	v31 =	vmul.f32 v12, v1  }
0x173: {  	v32 =	vld.idx.msk [tilespmem:v26+s26+$0x0 ss:$0x1], $0xffff  }
0x174: {  	v62 =	vmul.f32 v23, v3;
	v31 =	vadd.f32 v33, v31  }
0x175: {  	v22 =	vld.idx.msk [tilespmem:v26+s26+$0x10 ss:$0x1], $0xffff  }
0x176: {  	v63 =	vmul.f32 v29, v4;
	v31 =	vadd.f32 v62, v31  }
0x177: {  	v27 =	vld.idx.msk [tilespmem:v26+s26+$0x20 ss:$0x1], $0xffff  }
0x178: {  	v37 =	vmul.f32 v32, v5;
	v31 =	vadd.f32 v63, v31  }
0x179: {  	v33 =	vld.idx.msk [tilespmem:v26+s26+$0x30 ss:$0x1], $0xffff  }
0x17a: {  	s24 =	sshll.u32 s24, $0x9;
	s25 =	simm.s32 $0x180;
	v38 =	vmul.f32 v22, v6;
	v37 =	vadd.f32 v37, v31  }
0x17b: {  	s24 =	sshra.s32 s24, $0x2;
	s26 =	simm.s32 $0x800;
	v31 =	vld.idx.msk [tilespmem:v26+s25+$0xFFFFFFC0 ss:$0x1], $0xffff;
	v35 =	vpop (erf)  }
.LBB2_18:
0x17c: {  	p0 =	seq.s32 s26, $0x9E00;
	v39 =	vld.idx.msk [tilespmem:v26+s25+$0xFFFFFFD0 ss:$0x1], $0xffff;
	v37 =	vadd.f32 v38, v37;
	v38 =	vmul.f32 v27, v7;
	v40, _, _ =	vpop (xrf2);
	v36 =	vmul.f32 v35, v36  }
0x17d: {  	v34 =	vmul.f32 v35, v34;
	v42 =	vmul.f32 v35, v10;
	v10 =	vmovc v19;
	v41 =	vld.idx.msk [tilespmem:v26+s25+$0xFFFFFFE0 ss:$0x1], $0xffff;
	v40 =	vmin.f32 v40, $6.000000000e+01  }
0x17e: {  	v19 =	vmovc v28;
	v37 =	vadd.f32 v38, v37;
	v38 =	vmul.f32 v33, v8;
	v40 =	vmul.f32 $1.442695020e+00, v40;
	[tilespmem:s24+$0x194F0] =	vst.add.f32.msk $0xffff, v36  }
0x17f: {  	v9 =	vadd.f32 v35, v9;
	v36 =	vmul.f32 v35, v21;
	[tilespmem:s24+$0x19480] =	vst.add.f32.msk $0xffff, v34;
	v34 =	vmul.f32 v35, v14  }
0x180: {  	v14 =	vmovc v15;
	v43 =	vld.idx.msk [tilespmem:v26+s25+$0xFFFFFFF0 ss:$0x1], $0xffff;
	v46 =	vadd.f32 v38, v37;
	v37 =	vbroadcast v40, $0xF;
	v38 =	vmul.f32 v35, v25  }
0x181: {  	v21 =	vmovc v17;
	v15 =	vmov v23;
	v40 =	vmul.f32 v31, v1;
	[tilespmem:s24+$0x19490] =	vst.add.f32.msk $0xffff, v42;
	v42 =	vmul.f32 v35, v24  }
0x182: {  	v17 =	vmovc v29;
	v45 =	vmul.f32 v39, v2;
	v28 =	vmov v39;
	v44 =	vld.idx.msk [tilespmem:v26+s25+$0x0 ss:$0x1], $0xffff;
	(xrf2) =	vadd.scan.msk.f32 $0xffff, v46;
	(erf) = vpow2.f32 v37  }
0x183: {  	v25 =	vmovc v11;
	v11 =	vmovc v32;
	v35 =	vmul.f32 v35, v18;
	v24 =	vmov v13;
	v23 =	vmov v41;
	[tilespmem:s24+$0x194A0] =	vst.add.f32.msk $0xffff, v34  }
0x184: {  	v13 =	vmovc v22;
	v18 =	vmov v20;
	v39 =	vadd.f32 v45, v40;
	v32 =	vmul.f32 v23, v3;
	v22 =	vld.idx.msk [tilespmem:v26+s25+$0x10 ss:$0x1], $0xffff  }
0x185: {  	v20 =	vmovc v27;
	v34 =	vmovc v16;
	v16 =	vmov v12;
	[tilespmem:s24+$0x194B0] =	vst.add.f32.msk $0xffff, v36;
	v36 =	vmov v30;
	v30 =	vmov v33  }
0x186: {  	v12 =	vmovc v31;
	v39 =	vadd.f32 v32, v39;
	v37 =	vmul.f32 v43, v4;
	v29 =	vmov v43;
	v27 =	vld.idx.msk [tilespmem:v26+s25+$0x20 ss:$0x1], $0xffff  }
.Ltmp17:
0x187: {  	[tilespmem:s24+$0x194C0] =	vst.add.f32.msk $0xffff, v38;
	(pc) =	sbr.rel @!p0 .LBB2_18-.Ltmp17, $4  }
0x188: {  	v31 =	vadd.f32 v37, v39;
	v37 =	vmul.f32 v44, v5;
	v32 =	vmov v44;
	v33 =	vld.idx.msk [tilespmem:v26+s25+$0x30 ss:$0x1], $0xffff  }
0x189: {  	[tilespmem:s24+$0x194D0] =	vst.add.f32.msk $0xffff, v42  }
0x18a: {  	s25 =	sshra.s32 s26, $0x2;
	v37 =	vadd.f32 v37, v31;
	v38 =	vmul.f32 v22, v6;
	[tilespmem:s24+$0x194E0] =	vst.add.f32.msk $0xffff, v35  }
0x18b: {  	s26 =	sadd.s32 $0x200, s26;
	v31 =	vld.idx.msk [tilespmem:v26+s25+$0xFFFFFFC0 ss:$0x1], $0xffff;
	v35 =	vpop (erf)  }
0x18c: {  	_ =	sdelay $0x3  }
0x18d: {  	v39 =	vld.idx.msk [tilespmem:v26+s25+$0xFFFFFFD0 ss:$0x1], $0xffff;
	_ =	sdelay $0x1  }
0x18e: {  	v40 =	vld.idx.msk [tilespmem:v26+s25+$0xFFFFFFE0 ss:$0x1], $0xffff;
	_ =	sdelay $0x1  }
0x18f: {  	v41 =	vld.idx.msk [tilespmem:v26+s25+$0xFFFFFFF0 ss:$0x1], $0xffff  }
0x190: {  	v42 =	vmul.f32 v31, v1;
	v43 =	vmul.f32 v39, v2  }
0x191: {  	v37 =	vadd.f32 v38, v37;
	v44 =	vld.idx.msk [tilespmem:v26+s25+$0x0 ss:$0x1], $0xffff  }
0x192: {  	v56 =	vmul.f32 v27, v7;
	v57 =	vmul.f32 v40, v3;
	v42 =	vadd.f32 v43, v42  }
0x193: {  	v38 =	vld.idx.msk [tilespmem:v26+s25+$0x10 ss:$0x1], $0xffff;
	v45 =	vmul.f32 v33, v8  }
0x194: {  	v37 =	vadd.f32 v56, v37;
	v58 =	vmul.f32 v41, v4;
	v42 =	vadd.f32 v57, v42  }
0x195: {  	v46 =	vld.idx.msk [tilespmem:v26+s25+$0x20 ss:$0x1], $0xffff  }
0x196: {  	v37 =	vadd.f32 v45, v37;
	v59 =	vmul.f32 v44, v5;
	v42 =	vadd.f32 v58, v42  }
0x197: {  	v26 =	vld.idx.msk [tilespmem:v26+s25+$0x30 ss:$0x1], $0xffff  }
0x198: {  	v61 =	vmul.f32 v38, v6;
	(xrf2) =	vadd.scan.msk.f32 $0xffff, v37;
	v60 =	vadd.f32 v59, v42  }
0x199: {  	v62, _, _ =	vpop (xrf2)  }
0x19a: {  	v63 =	vmul.f32 v46, v7;
	v43 =	vmin.f32 v62, $6.000000000e+01;
	v37 =	vadd.f32 v61, v60  }
0x19b: {  	v43 =	vmul.f32 $1.442695020e+00, v43  }
0x19c: {  	v45 =	vmul.f32 v26, v8;
	v37 =	vadd.f32 v63, v37  }
0x19d: {  	v47 =	vbroadcast v43, $0xF  }
0x19e: {  	v37 =	vadd.f32 v45, v37  }
0x19f: {  	(erf) = vpow2.f32 v47  }
0x1a0: {  	(xrf2) =	vadd.scan.msk.f32 $0xffff, v37;
	_ =	sdelay $0x1  }
0x1a1: {  	v36 =	vmul.f32 v35, v36;
	v48, _, _ =	vpop (xrf2)  }
0x1a2: {  	v34 =	vmul.f32 v35, v34;
	v37 =	vmin.f32 v48, $6.000000000e+01  }
0x1a3: {  	v10 =	vmul.f32 v35, v10;
	[tilespmem:s24+$0x194F0] =	vst.add.f32.msk $0xffff, v36;
	v49 =	vmul.f32 $1.442695020e+00, v37  }
0x1a4: {  	v14 =	vmul.f32 v35, v14;
	[tilespmem:s24+$0x19480] =	vst.add.f32.msk $0xffff, v34  }
0x1a5: {  	v21 =	vmul.f32 v35, v21;
	[tilespmem:s24+$0x19490] =	vst.add.f32.msk $0xffff, v10;
	v10 =	vbroadcast v49, $0xF  }
0x1a6: {  	v25 =	vmul.f32 v35, v25;
	[tilespmem:s24+$0x194A0] =	vst.add.f32.msk $0xffff, v14  }
0x1a7: {  	v50 =	vmul.f32 v35, v24;
	[tilespmem:s24+$0x194B0] =	vst.add.f32.msk $0xffff, v21;
	v51 =	vpop (erf);
	(erf) = vpow2.f32 v10  }
0x1a8: {  	[tilespmem:s24+$0x194C0] =	vst.add.f32.msk $0xffff, v25;
	v52 =	vmul.f32 v51, v30  }
0x1a9: {  	[tilespmem:s24+$0x194D0] =	vst.add.f32.msk $0xffff, v50;
	v10 =	vmul.f32 v35, v18;
	v53, _, _ =	vpop (xrf2)  }
0x1aa: {  	v19 =	vmul.f32 v51, v19;
	[tilespmem:s24+$0x194F0] =	vst.add.f32.msk $0xffff, v52;
	v54 =	vmin.f32 v53, $6.000000000e+01  }
0x1ab: {  	[tilespmem:s24+$0x194E0] =	vst.add.f32.msk $0xffff, v10;
	v10 =	vmul.f32 v51, v16;
	v55 =	vmul.f32 $1.442695020e+00, v54  }
0x1ac: {  	v56 =	vmul.f32 v51, v17;
	[tilespmem:s24+$0x19490] =	vst.add.f32.msk $0xffff, v19  }
0x1ad: {  	[tilespmem:s24+$0x19480] =	vst.add.f32.msk $0xffff, v10;
	v10 =	vmul.f32 v51, v15;
	v14 =	vbroadcast v55, $0xF  }
0x1ae: {  	v11 =	vmul.f32 v51, v11;
	[tilespmem:s24+$0x194B0] =	vst.add.f32.msk $0xffff, v56  }
0x1af: {  	[tilespmem:s24+$0x194A0] =	vst.add.f32.msk $0xffff, v10;
	v10 =	vmul.f32 v51, v13;
	(erf) = vpow2.f32 v14  }
0x1b0: {  	v58 =	vmul.f32 v51, v20;
	[tilespmem:s24+$0x194C0] =	vst.add.f32.msk $0xffff, v11;
	v57 =	vpop (erf)  }
0x1b1: {  	[tilespmem:s24+$0x194D0] =	vst.add.f32.msk $0xffff, v10;
	v10 =	vmul.f32 v57, v33  }
0x1b2: {  	[tilespmem:s24+$0x194E0] =	vst.add.f32.msk $0xffff, v58;
	v11 =	vmul.f32 v57, v12  }
0x1b3: {  	v59 =	vmul.f32 v57, v28;
	[tilespmem:s24+$0x194F0] =	vst.add.f32.msk $0xffff, v10  }
0x1b4: {  	v60 =	vmul.f32 v57, v32;
	[tilespmem:s24+$0x19480] =	vst.add.f32.msk $0xffff, v11  }
0x1b5: {  	v10 =	vmul.f32 v57, v23;
	[tilespmem:s24+$0x19490] =	vst.add.f32.msk $0xffff, v59  }
0x1b6: {  	v11 =	vmul.f32 v57, v29;
	[tilespmem:s24+$0x194C0] =	vst.add.f32.msk $0xffff, v60  }
0x1b7: {  	[tilespmem:s24+$0x194A0] =	vst.add.f32.msk $0xffff, v10;
	v10 =	vmul.f32 v57, v22  }
0x1b8: {  	[tilespmem:s24+$0x194B0] =	vst.add.f32.msk $0xffff, v11;
	v11 =	vmul.f32 v57, v27;
	v61 =	vpop (erf)  }
0x1b9: {  	[tilespmem:s24+$0x194D0] =	vst.add.f32.msk $0xffff, v10;
	v10 =	vmul.f32 v61, v26  }
0x1ba: {  	[tilespmem:s24+$0x194E0] =	vst.add.f32.msk $0xffff, v11;
	v11 =	vmul.f32 v61, v31  }
0x1bb: {  	v62 =	vmul.f32 v61, v39;
	[tilespmem:s24+$0x194F0] =	vst.add.f32.msk $0xffff, v10  }
0x1bc: {  	v9 =	vadd.f32 v35, v9;
	v63 =	vmul.f32 v61, v44;
	[tilespmem:s24+$0x19480] =	vst.add.f32.msk $0xffff, v11  }
0x1bd: {  	v10 =	vmul.f32 v61, v40;
	[tilespmem:s24+$0x19490] =	vst.add.f32.msk $0xffff, v62  }
.Ltmp18:
0x1be: {  	v9 =	vadd.f32 v51, v9;
	v11 =	vmul.f32 v61, v41;
	[tilespmem:s24+$0x194C0] =	vst.add.f32.msk $0xffff, v63;
	(pc) =	sbr.rel .LBB2_23-.Ltmp18, $4  }
0x1bf: {  	[tilespmem:s24+$0x194A0] =	vst.add.f32.msk $0xffff, v10;
	v10 =	vmul.f32 v61, v38  }
0x1c0: {  	v9 =	vadd.f32 v57, v9;
	[tilespmem:s24+$0x194B0] =	vst.add.f32.msk $0xffff, v11;
	v11 =	vmul.f32 v61, v46  }
0x1c1: {  	[tilespmem:s24+$0x194D0] =	vst.add.f32.msk $0xffff, v10  }
0x1c2: {  	v9 =	vadd.f32 v61, v9;
	[tilespmem:s24+$0x194E0] =	vst.add.f32.msk $0xffff, v11  }
.LBB2_20:
0x1c3: {  	v15 =	vld [tilespmem:s23+$0xFFFFFFC0]  }
0x1c4: {  	v10 =	vld [tilespmem:s23+$0xFFFFFFD0];
	_ =	sdelay $0x1  }
0x1c5: {  	v11 =	vld [tilespmem:s23+$0xFFFFFFE0];
	_ =	sdelay $0x1  }
0x1c6: {  	v18 =	vld [tilespmem:s23+$0xFFFFFFF0]  }
0x1c7: {  	v13 =	vmul.f32 v15, v1;
	v14 =	vmul.f32 v10, v2  }
0x1c8: {  	v12 =	vld [tilespmem:s23+$0x0]  }
0x1c9: {  	v16 =	vmul.f32 v11, v3;
	v14 =	vadd.f32 v14, v13  }
0x1ca: {  	v13 =	vld [tilespmem:s23+$0x10]  }
0x1cb: {  	v14 =	vadd.f32 v16, v14;
	v16 =	vmul.f32 v18, v4  }
0x1cc: {  	v17 =	vld [tilespmem:s23+$0x20]  }
0x1cd: {  	v14 =	vadd.f32 v16, v14;
	v16 =	vmul.f32 v12, v5  }
0x1ce: {  	v19 =	vld [tilespmem:s23+$0x30]  }
0x1cf: {  	v14 =	vadd.f32 v16, v14;
	v16 =	vmul.f32 v13, v6;
	_ =	sdelay $0x1  }
0x1d0: {  	v14 =	vadd.f32 v16, v14;
	v16 =	vmul.f32 v17, v7;
	_ =	sdelay $0x1  }
0x1d1: {  	v14 =	vadd.f32 v16, v14;
	v16 =	vmul.f32 v19, v8;
	_ =	sdelay $0x1  }
0x1d2: {  	v14 =	vadd.f32 v16, v14;
	_ =	sdelay $0x1  }
0x1d3: {  	(xrf2) =	vadd.scan.msk.f32 $0xffff, v14;
	_ =	sdelay $0x3  }
0x1d4: {  	s24 =	sadd.s32 $0x0, s22  }
0x1d5: {  	v14 =	vld [tilespmem:s24+$0x0];
	_ =	sdelay $0x4  }
0x1d6: {  	(v2sf) =	vpush v14, $0x0;
	v16, _, _ =	vpop (xrf2)  }
0x1d7: {  	v14 =	vmin.f32 v16, $6.000000000e+01  }
0x1d8: {  	v14 =	vmul.f32 $1.442695020e+00, v14;
	_ =	sdelay $0x1  }
0x1d9: {  	v14 =	vbroadcast v14, $0xF;
	_ =	sdelay $0x1  }
0x1da: {  	(erf) = vpow2.f32 v14;
	_ =	sdelay $0x8  }
0x1db: {  	s31 =	spop (v2sf);
	v14 =	vpop (erf)  }
0x1dc: {  	s25 =	sshll.u32 s31, $0x9;
	v17 =	vmul.f32 v14, v17;
	v16 =	vmul.f32 v14, v19  }
0x1dd: {  	s24 =	simm.s32 $0x4;
	s28 =	sshra.s32 s25, $0x2;
	s25 =	smov.u32 s23;
	v9 =	vadd.f32 v14, v9;
	v15 =	vmul.f32 v14, v15;
	v18 =	vmul.f32 v14, v18  }
.LBB2_21:
0x1de: {  	p0 =	sne.s32 s24, $0x13C  }
0x1df: {  	v11 =	vmul.f32 v14, v11;
	v12 =	vmul.f32 v14, v12;
	[tilespmem:s28+$0x194E0] =	vst.add.f32.msk $0xffff, v17;
	s25 =	sadd.s32 $0x80, s25;
	s26 =	smov.u32 s24;
	s24 =	sadd.s32 $0x4, s24  }
0x1e0: {  	v10 =	vmul.f32 v14, v10;
	v13 =	vmul.f32 v14, v13;
	[tilespmem:s28+$0x194F0] =	vst.add.f32.msk $0xffff, v16  }
0x1e1: {  	[tilespmem:s28+$0x194B0] =	vst.add.f32.msk $0xffff, v18  }
0x1e2: {  	[tilespmem:s28+$0x19480] =	vst.add.f32.msk $0xffff, v15  }
0x1e3: {  	[tilespmem:s28+$0x194D0] =	vst.add.f32.msk $0xffff, v13  }
0x1e4: {  	[tilespmem:s28+$0x194C0] =	vst.add.f32.msk $0xffff, v12  }
0x1e5: {  	[tilespmem:s28+$0x19490] =	vst.add.f32.msk $0xffff, v10  }
0x1e6: {  	[tilespmem:s28+$0x194A0] =	vst.add.f32.msk $0xffff, v11  }
0x1e7: {  	v15 =	vld [tilespmem:s25+$0xFFFFFFC0]  }
0x1e8: {  	v10 =	vld [tilespmem:s25+$0xFFFFFFD0];
	_ =	sdelay $0x1  }
0x1e9: {  	v11 =	vld [tilespmem:s25+$0xFFFFFFE0];
	_ =	sdelay $0x1  }
0x1ea: {  	v18 =	vld [tilespmem:s25+$0xFFFFFFF0]  }
0x1eb: {  	v13 =	vmul.f32 v15, v1;
	v14 =	vmul.f32 v10, v2  }
0x1ec: {  	v12 =	vld [tilespmem:s25+$0x0]  }
0x1ed: {  	v14 =	vadd.f32 v14, v13;
	v16 =	vmul.f32 v11, v3  }
0x1ee: {  	v13 =	vld [tilespmem:s25+$0x10]  }
0x1ef: {  	v14 =	vadd.f32 v16, v14;
	v16 =	vmul.f32 v18, v4  }
0x1f0: {  	v17 =	vld [tilespmem:s25+$0x20]  }
0x1f1: {  	v14 =	vadd.f32 v16, v14;
	v16 =	vmul.f32 v12, v5  }
0x1f2: {  	v19 =	vld [tilespmem:s25+$0x30]  }
0x1f3: {  	v14 =	vadd.f32 v16, v14;
	v16 =	vmul.f32 v13, v6;
	_ =	sdelay $0x1  }
0x1f4: {  	v14 =	vadd.f32 v16, v14;
	v16 =	vmul.f32 v17, v7;
	_ =	sdelay $0x1  }
0x1f5: {  	v14 =	vadd.f32 v16, v14;
	v16 =	vmul.f32 v19, v8;
	_ =	sdelay $0x1  }
0x1f6: {  	v14 =	vadd.f32 v16, v14;
	_ =	sdelay $0x1  }
0x1f7: {  	(xrf2) =	vadd.scan.msk.f32 $0xffff, v14;
	_ =	sdelay $0x2  }
0x1f8: {  	s26 =	sshra.s32 s26, $0x2  }
0x1f9: {  	s26 =	sadd.s32 s26, s22  }
0x1fa: {  	v14 =	vld [tilespmem:s26+$0x0];
	_ =	sdelay $0x4  }
0x1fb: {  	v16, _, _ =	vpop (xrf2);
	(v2sf) =	vpush v14, $0x0  }
0x1fc: {  	v14 =	vmin.f32 v16, $6.000000000e+01  }
0x1fd: {  	v14 =	vmul.f32 $1.442695020e+00, v14;
	_ =	sdelay $0x1  }
0x1fe: {  	v14 =	vbroadcast v14, $0xF;
	_ =	sdelay $0x1  }
0x1ff: {  	(erf) = vpow2.f32 v14;
	_ =	sdelay $0x6  }
.Ltmp19:
0x200: {  	(pc) =	sbr.rel @p0 .LBB2_21-.Ltmp19, $4  }
0x201: {  	_ = 	snop  }
0x202: {  	v14 =	vpop (erf);
	s26 =	spop (v2sf)  }
0x203: {  	s26 =	sshll.u32 s26, $0x9;
	v17 =	vmul.f32 v14, v17;
	v16 =	vmul.f32 v14, v19;
	v9 =	vadd.f32 v14, v9  }
0x204: {  	v15 =	vmul.f32 v14, v15;
	v18 =	vmul.f32 v14, v18;
	s28 =	sshra.s32 s26, $0x2  }
.Ltmp20:
0x205: {  	_ = 	snop;
	(pc) =	sbr.rel .LBB2_22-.Ltmp20, $1  }
0x206: {  	_ =	sdelay $0x3  }
.LBB2_26:
0x207: {  	_ =	sfence.sel $0x180000  }
0x208: {  	[bflag:$0x0] =	sbarrier.arrive $0xFFFF  }
0x209: {  	p0 =	sne.s32 s4, $0x0;
	_ =	strace $0x90000047  }
0x20a: {  	s0 =	sadd.s32 @!p0 $0x100000, s0;
	[bflag:$0x2] =	sbarrier.arrive $0xFFFF  }
0x20b: {  	[sflag:s0] =	ssyncadd.tile.s32 @!p0 $0x1;
	_ =	shalt  }
.Lfunc_end2:
_tile_overlayer_lowered:
.L_overlay_start_2:
0x20c: {  	(tag) =	ssettag $0x2  }
0x20d: {  	s0 =	rddreg [dreg:$0x0];
	s2 =	stileid.u32  }
0x20e: {  	s1 =	rddreg [dreg:$0x1];
	p0 =	sne.s32 s2, $0x0  }
0x20f: {  	s3 =	rddreg [dreg:$0x2];
	[bflag:$0x3] =	sbarrier.arrive $0xFFFF;
	s2 =	simm.s32 @!p0 $0x1C03  }
0x210: {  	[timem:s3], [sflag:s2] =	dma.local @!p0 [hbm:s0], s1  }
0x211: {  	s0 =	simm.s32 @!p0 $0x3  }
0x212: {  	_ =	swait.ge @!p0 [sflag:s0], s1  }
0x213: {  	s1 =	ssub.s32 @!p0 $0x0, s1;
	[sflag:s0] =	ssyncset.done @!p0 $0x0  }
0x214: {  	[sflag:s0] =	ssyncadd.s32 @!p0 s1  }
0x215: {  	[bflag:$0x3] =	sbarrier.arrive $0xFFFF  }
0x216: {  	_ =	shalt  }

</sc_bundles>
